<compile_context>
chip_gen: v7x
topology: tpu7x:2x2x1
jax: 0.10.2.dev20260603
libtpu: 0.0.44.dev20260713+nightly
codegen_flags: <defaults>
</compile_context>

<pallas_src>
import jax
import jax.numpy as jnp
import numpy as np
from jax import lax
from jax.experimental import pallas as pl
from jax.experimental.pallas import tpu as pltpu
from jax.experimental.pallas import tpu_sc as plsc

N_NODES = 10000
N_EDGES = 320000
IN_FEATS = 128
OUT_FEATS = 128
ONSET = 0.8
CUTOFF = 1.0
GAMMA = float(IN_FEATS) / (CUTOFF - 0.0)
DELTA = CUTOFF / float(IN_FEATS - 1)

NC = 2
NS = 16
NW = NC * NS
FPW = IN_FEATS // NW
XSL = FPW * N_NODES
CHUNK = 4000
NCHUNK = N_EDGES // CHUNK
NGROUP = CHUNK // 16

BN = 10000

CUT_POLY = (1.0000802954828545, -0.004472879735494428, -2.4076015098281327,
            -0.32647107298962685, 2.8973081193125845, -1.1589232477250402)

LOG2 = float(np.log(2.0))

_MUK = np.linspace(0.0, CUTOFF, IN_FEATS)
_CF = np.exp(-2.0 * GAMMA * DELTA * _MUK - GAMMA * DELTA * DELTA)
_PTAB = np.zeros((NW, 16), dtype=np.float32)
for _w in range(NW):
    _f0 = _w * FPW
    _PTAB[_w, 0] = _MUK[_f0]
    _PTAB[_w, 1:FPW] = _CF[_f0:_f0 + FPW - 1]
_PTAB_FLAT = _PTAB.reshape(-1)


def _sc_body(ptab_hbm, xt_hbm, src_hbm, dst_hbm, dist_hbm, out_hbm,
             xv, hv, sv0, sv1, dv0, dv1, rv0, rv1, ps, sems):
    svs, dvs, rvs = (sv0, sv1), (dv0, dv1), (rv0, rv1)
    wid = lax.axis_index("s") * NC + lax.axis_index("c")

    pltpu.sync_copy(ptab_hbm.at[pl.ds(wid * 16, 16)], ps)
    pltpu.sync_copy(xt_hbm.at[pl.ds(wid * XSL, XSL)], xv)

    zeros16 = jnp.zeros((16,), jnp.float32)

    @plsc.parallel_loop(0, XSL // 16, unroll=8)
    def _zero(i):
        hv[pl.ds(i * 16, 16)] = zeros16

    pvec = ps[...]
    m0 = pvec[0]
    qscale = jnp.float32(2.0 * GAMMA * DELTA)
    cks = [pvec[1 + j] for j in range(FPW - 1)]

    def start_chunk(b, chunk_base):
        pltpu.async_copy(src_hbm.at[pl.ds(chunk_base, CHUNK)], svs[b], sems.at[b])
        pltpu.async_copy(dst_hbm.at[pl.ds(chunk_base, CHUNK)], dvs[b], sems.at[b])
        pltpu.async_copy(dist_hbm.at[pl.ds(chunk_base, CHUNK)], rvs[b], sems.at[b])

    def wait_chunk(b):
        pltpu.make_async_copy(src_hbm.at[pl.ds(0, CHUNK)], svs[b], sems.at[b]).wait()
        pltpu.make_async_copy(dst_hbm.at[pl.ds(0, CHUNK)], dvs[b], sems.at[b]).wait()
        pltpu.make_async_copy(dist_hbm.at[pl.ds(0, CHUNK)], rvs[b], sems.at[b]).wait()

    for b in range(2):
        start_chunk(b, b * CHUNK)

    def chunk_pair(cc, carry):
        for b in range(2):
            chunk = cc * 2 + b
            wait_chunk(b)

            @plsc.parallel_loop(0, NGROUP, unroll=4)
            def _group(g):
                s16 = svs[b][pl.ds(g * 16, 16)]
                d16 = dvs[b][pl.ds(g * 16, 16)]
                r = rvs[b][pl.ds(g * 16, 16)]

                t = jnp.clip((r - ONSET) * (1.0 / (CUTOFF - ONSET)), 0.0, 1.0)
                cut = jnp.float32(CUT_POLY[-1])
                for coef in CUT_POLY[-2::-1]:
                    cut = cut * t + jnp.float32(coef)

                a = r - m0
                e = jnp.exp(a * a * (-GAMMA)) * cut
                q = jnp.exp(r * qscale)

                for f in range(FPW):
                    off = f * N_NODES
                    xg = plsc.load_gather(xv, [s16 + off])
                    plsc.addupdate_scatter(hv, [d16 + off], xg * e)
                    if f < FPW - 1:
                        e = e * (q * cks[f])

            @pl.when(chunk + 2 < NCHUNK)
            def _prefetch():
                start_chunk(b, (chunk + 2) * CHUNK)

        return carry

    lax.fori_loop(0, NCHUNK // 2, chunk_pair, 0)

    pltpu.sync_copy(hv, out_hbm.at[pl.ds(wid * XSL, XSL)])


def _sc_scatter(ptab, xt_flat, src, dst, dist):
    mesh = plsc.VectorSubcoreMesh(core_axis_name="c", subcore_axis_name="s")
    fn = pl.kernel(
        _sc_body,
        out_type=jax.ShapeDtypeStruct((IN_FEATS * N_NODES,), jnp.float32),
        mesh=mesh,
        compiler_params=pltpu.CompilerParams(needs_layout_passes=False),
        scratch_types=[
            pltpu.VMEM((XSL,), jnp.float32),
            pltpu.VMEM((XSL,), jnp.float32),
            pltpu.VMEM((CHUNK,), jnp.int32),
            pltpu.VMEM((CHUNK,), jnp.int32),
            pltpu.VMEM((CHUNK,), jnp.int32),
            pltpu.VMEM((CHUNK,), jnp.int32),
            pltpu.VMEM((CHUNK,), jnp.float32),
            pltpu.VMEM((CHUNK,), jnp.float32),
            pltpu.VMEM((16,), jnp.float32),
            pltpu.SemaphoreType.DMA((2,)),
        ],
    )
    return fn(ptab, xt_flat, src, dst, dist)


def _mlp_body(ht_ref, w1_ref, b1_ref, w2_ref, b2_ref, o_ref):
    ht = ht_ref[...]
    z = lax.dot_general(ht, w1_ref[...], (((0,), (0,)), ((), ())),
                        preferred_element_type=jnp.float32)
    z = z + b1_ref[...]
    sp = jnp.maximum(z, 0.0) + jnp.log(1.0 + jnp.exp(-jnp.abs(z))) - LOG2
    o_ref[...] = lax.dot_general(sp, w2_ref[...], (((1,), (0,)), ((), ())),
                                 preferred_element_type=jnp.float32) + b2_ref[...]


def _mlp(ht, W1, b1, W2, b2):
    grid = (N_NODES // BN,)
    return pl.pallas_call(
        _mlp_body,
        grid=grid,
        in_specs=[
            pl.BlockSpec((IN_FEATS, BN), lambda i: (0, i)),
            pl.BlockSpec((IN_FEATS, OUT_FEATS), lambda i: (0, 0)),
            pl.BlockSpec((1, OUT_FEATS), lambda i: (0, 0)),
            pl.BlockSpec((OUT_FEATS, OUT_FEATS), lambda i: (0, 0)),
            pl.BlockSpec((1, OUT_FEATS), lambda i: (0, 0)),
        ],
        out_specs=pl.BlockSpec((BN, OUT_FEATS), lambda i: (i, 0)),
        out_shape=jax.ShapeDtypeStruct((N_NODES, OUT_FEATS), jnp.float32),
    )(ht, W1, b1, W2, b2)


def kernel(x, edge_index, dist, W1, b1, W2, b2):
    src = edge_index[0]
    dst = edge_index[1]
    xt_flat = x.T.reshape(-1)
    ptab = jnp.asarray(_PTAB_FLAT)
    h_flat = _sc_scatter(ptab, xt_flat, src, dst, dist)
    ht = h_flat.reshape(IN_FEATS, N_NODES)
    return _mlp(ht, W1, b1.reshape(1, -1), W2, b2.reshape(1, -1))

# --- scband reference (transcript-rebuilt; emitter-appended) ---
"""Pipeline reference for scband-schnet-conv-36790689857682 (READ-ONLY COPY).

The authoritative reference and input builder live on the scoring server;
editing this copy changes nothing except your own understanding.
"""

import jax, jax.numpy as jnp
import numpy as np

N_NODES = 10000
N_EDGES = 320000
IN_FEATS = 128
OUT_FEATS = 128
ONSET = 0.8
CUTOFF = 1.0
# var == 'd' -> in_range = (0, cutoff); gamma = in_feats / (range_hi - range_lo)
GAMMA = float(IN_FEATS) / (CUTOFF - 0.0)
MUK = jnp.linspace(0.0, CUTOFF, IN_FEATS)


def smooth_cutoff(d):
    # 1 below onset, 0 above cutoff, cosine decay in between
    t = jnp.clip((d - ONSET) / (CUTOFF - ONSET), 0.0, 1.0)
    val = 0.5 * (jnp.cos(jnp.pi * t) + 1.0)
    return jnp.where(d < ONSET, 1.0, jnp.where(d > CUTOFF, 0.0, val))


def setup_inputs(seed: int = 0) -> dict:
    key = jax.random.key(seed)
    ks = jax.random.split(key, 8)
    x = jax.random.normal(ks[0], (N_NODES, IN_FEATS), dtype=jnp.float32)
    edge_index = jax.random.randint(ks[1], (2, N_EDGES), 0, N_NODES)
    dist = jax.random.uniform(ks[2], (N_EDGES,), dtype=jnp.float32)
    # MLP parameters (Linear -> shifted-softplus -> Linear, SchNet style)
    W1 = jax.random.normal(ks[3], (IN_FEATS, OUT_FEATS), dtype=jnp.float32) / np.sqrt(IN_FEATS)
    b1 = jnp.zeros((OUT_FEATS,), dtype=jnp.float32)
    W2 = jax.random.normal(ks[4], (OUT_FEATS, OUT_FEATS), dtype=jnp.float32) / np.sqrt(OUT_FEATS)
    b2 = jnp.zeros((OUT_FEATS,), dtype=jnp.float32)
    return {"x": x, "edge_index": edge_index, "dist": dist, "W1": W1, "b1": b1, "W2": W2, "b2": b2}


def reference(x, edge_index, dist, W1, b1, W2, b2):
    src = edge_index[0]
    dst = edge_index[1]
    # message_func: src_h * gaussian_basis(dist) * smooth_cutoff(dist)
    basis = jnp.exp(-GAMMA * (dist[:, None] - MUK[None, :]) ** 2)  # [E, F]
    cut = smooth_cutoff(dist)  # [E]
    msg = x[src] * basis * cut[:, None]  # gather + elementwise, [E, F]
    # reduce_func: sum over incoming edges (scatter-add by destination node)
    h = jax.ops.segment_sum(msg, dst, num_segments=N_NODES)  # [N, F]
    # MLP head with shifted softplus activation
    hidden = jax.nn.softplus(h @ W1 + b1) - jnp.log(2.0)
    out = hidden @ W2 + b2
    return out

if __name__ == "__main__":
    import jax
    _d = setup_inputs()
    print(jax.jit(kernel)(*tuple(_d.values())))

</pallas_src>

<mosaic_0001>
#map = affine_map<(d0, d1) -> (0)>
module attributes {stable_mosaic.version = 14 : i64} {
  func.func @_sc_body(%arg0: i32, %arg1: i32, %arg2: memref<512xf32, #tpu.memory_space<hbm>>, %arg3: memref<1280000xf32, #tpu.memory_space<hbm>>, %arg4: memref<320000xi32, #tpu.memory_space<hbm>>, %arg5: memref<320000xi32, #tpu.memory_space<hbm>>, %arg6: memref<320000xf32, #tpu.memory_space<hbm>>, %arg7: memref<1280000xf32, #tpu.memory_space<hbm>>, %arg8: memref<40000xf32, #tpu.memory_space<vmem>>, %arg9: memref<40000xf32, #tpu.memory_space<vmem>>, %arg10: memref<4000xi32, #tpu.memory_space<vmem>>, %arg11: memref<4000xi32, #tpu.memory_space<vmem>>, %arg12: memref<4000xi32, #tpu.memory_space<vmem>>, %arg13: memref<4000xi32, #tpu.memory_space<vmem>>, %arg14: memref<4000xf32, #tpu.memory_space<vmem>>, %arg15: memref<4000xf32, #tpu.memory_space<vmem>>, %arg16: memref<16xf32, #tpu.memory_space<vmem>>, %arg17: memref<2x!tpu.dma_semaphore, #tpu.memory_space<semaphore_mem>>) attributes {dimension_semantics = [#tpu.dimension_semantics<core_parallel>, #tpu.dimension_semantics<subcore_parallel>], iteration_bounds = array<i64: 2, 16>, scalar_prefetch = 0 : i64, scratch_operands = 10 : i64, tpu.core_type = #tpu.core_type<sc_vector_subcore>, window_params = [{transform_indices = #map}, {transform_indices = #map}, {transform_indices = #map}, {transform_indices = #map}, {transform_indices = #map}, {transform_indices = #map}]} {
    %mul3A = arith.constant 2 : i32
    %mul3A_0 = arith.muli %arg1, %mul3A : i32
    %add3A = arith.addi %mul3A_0, %arg0 : i32
    %mul3A_1 = arith.constant 16 : i32
    %mul3A_2 = arith.muli %add3A, %mul3A_1 : i32
    "tpu.region"() ({
      %run_scoped3A = tpu.sem_alloc : memref<!tpu.dma_semaphore, #tpu.memory_space<semaphore_mem>>
      %dma_start3A_64 = tpu.memref_slice %arg2[%mul3A_2] : memref<512xf32, #tpu.memory_space<hbm>> -> memref<16xf32, #tpu.memory_space<hbm>>
      %dma_start3A_65 = tpu.memref_slice %arg2[%mul3A_2] : memref<512xf32, #tpu.memory_space<hbm>> -> memref<16xf32, #tpu.memory_space<hbm>>
      tpu.enqueue_dma source(%dma_start3A_65 : memref<16xf32, #tpu.memory_space<hbm>>) target(%arg16 : memref<16xf32, #tpu.memory_space<vmem>>) target_semaphore(%run_scoped3A : memref<!tpu.dma_semaphore, #tpu.memory_space<semaphore_mem>>)
      %dma_wait3A = tpu.memref_slice %arg2[%mul3A_2] : memref<512xf32, #tpu.memory_space<hbm>> -> memref<16xf32, #tpu.memory_space<hbm>>
      %dma_wait3A_66 = tpu.memref_slice %arg2[%mul3A_2] : memref<512xf32, #tpu.memory_space<hbm>> -> memref<16xf32, #tpu.memory_space<hbm>>
      tpu.wait_dma2 semaphore(%run_scoped3A : memref<!tpu.dma_semaphore, #tpu.memory_space<semaphore_mem>>) src(%dma_wait3A_66 : memref<16xf32, #tpu.memory_space<hbm>>) dst(%arg16 : memref<16xf32, #tpu.memory_space<vmem>>)
      tpu.yield
    }) : () -> ()
    %mul3A_3 = arith.constant 40000 : i32
    %mul3A_4 = arith.muli %add3A, %mul3A_3 : i32
    "tpu.region"() ({
      %run_scoped3A = tpu.sem_alloc : memref<!tpu.dma_semaphore, #tpu.memory_space<semaphore_mem>>
      %dma_start3A_64 = tpu.memref_slice %arg3[%mul3A_4] : memref<1280000xf32, #tpu.memory_space<hbm>> -> memref<40000xf32, #tpu.memory_space<hbm>>
      %dma_start3A_65 = tpu.memref_slice %arg3[%mul3A_4] : memref<1280000xf32, #tpu.memory_space<hbm>> -> memref<40000xf32, #tpu.memory_space<hbm>>
      tpu.enqueue_dma source(%dma_start3A_65 : memref<40000xf32, #tpu.memory_space<hbm>>) target(%arg8 : memref<40000xf32, #tpu.memory_space<vmem>>) target_semaphore(%run_scoped3A : memref<!tpu.dma_semaphore, #tpu.memory_space<semaphore_mem>>)
      %dma_wait3A = tpu.memref_slice %arg3[%mul3A_4] : memref<1280000xf32, #tpu.memory_space<hbm>> -> memref<40000xf32, #tpu.memory_space<hbm>>
      %dma_wait3A_66 = tpu.memref_slice %arg3[%mul3A_4] : memref<1280000xf32, #tpu.memory_space<hbm>> -> memref<40000xf32, #tpu.memory_space<hbm>>
      tpu.wait_dma2 semaphore(%run_scoped3A : memref<!tpu.dma_semaphore, #tpu.memory_space<semaphore_mem>>) src(%dma_wait3A_66 : memref<40000xf32, #tpu.memory_space<hbm>>) dst(%arg8 : memref<40000xf32, #tpu.memory_space<vmem>>)
      tpu.yield
    }) : () -> ()
    %broadcast_in_dim3A = arith.constant 0.000000e+00 : f32
    %broadcast_in_dim3A_5 = vector.broadcast %broadcast_in_dim3A : f32 to vector<16xf32>
    %parallel_loop3A = arith.constant 0 : i32
    %parallel_loop3A_6 = arith.constant 2500 : i32
    %parallel_loop3A_7 = arith.constant 1 : i32
    scf.for %parallel_loop3A_64 = %parallel_loop3A to %parallel_loop3A_6 step %parallel_loop3A_7  : i32 {
      %parallel_loop3A_65 = arith.constant 16 : i32
      %parallel_loop3A_66 = arith.muli %parallel_loop3A_64, %parallel_loop3A_65 : i32
      %parallel_loop3A_67 = arith.index_cast %parallel_loop3A_66 : i32 to index
      %parallel_loop3A_68 = tpu.vector_load %arg9[%parallel_loop3A_67] {strides = array<i32>} : memref<40000xf32, #tpu.memory_space<vmem>>, vector<16xf32>,
      tpu.vector_store %arg9[%parallel_loop3A_67], %broadcast_in_dim3A_5 {strides = array<i32>} : memref<40000xf32, #tpu.memory_space<vmem>>, vector<16xf32>,
    } {sc.loop_unroll_factor = 8 : i64, sc.parallel_access}
    %get3A = arith.constant 0 : index
    %get3A_8 = tpu.vector_load %arg16[%get3A] {strides = array<i32>} : memref<16xf32, #tpu.memory_space<vmem>>, vector<16xf32>,
    %slice3A = vector.extract_strided_slice %get3A_8 {offsets = [0], sizes = [1], strides = [1]} : vector<16xf32> to vector<1xf32>
    %squeeze3A = vector.extract %slice3A[0] : f32 from vector<1xf32>
    %slice3A_9 = vector.extract_strided_slice %get3A_8 {offsets = [1], sizes = [1], strides = [1]} : vector<16xf32> to vector<1xf32>
    %squeeze3A_10 = vector.extract %slice3A_9[0] : f32 from vector<1xf32>
    %slice3A_11 = vector.extract_strided_slice %get3A_8 {offsets = [2], sizes = [1], strides = [1]} : vector<16xf32> to vector<1xf32>
    %squeeze3A_12 = vector.extract %slice3A_11[0] : f32 from vector<1xf32>
    %slice3A_13 = vector.extract_strided_slice %get3A_8 {offsets = [3], sizes = [1], strides = [1]} : vector<16xf32> to vector<1xf32>
    %squeeze3A_14 = vector.extract %slice3A_13[0] : f32 from vector<1xf32>
    %dma_start3A = arith.constant 0 : i32
    %dma_start3A_15 = arith.constant 0 : i32
    %dma_start3A_16 = tpu.memref_slice %arg4[%dma_start3A_15] : memref<320000xi32, #tpu.memory_space<hbm>> -> memref<4000xi32, #tpu.memory_space<hbm>>
    %dma_start3A_17 = tpu.memref_slice %arg17[%dma_start3A] : memref<2x!tpu.dma_semaphore, #tpu.memory_space<semaphore_mem>> -> memref<1x!tpu.dma_semaphore, #tpu.memory_space<semaphore_mem>>
    %dma_start3A_18 = tpu.memref_squeeze %dma_start3A_17 : memref<1x!tpu.dma_semaphore, #tpu.memory_space<semaphore_mem>> -> memref<!tpu.dma_semaphore, #tpu.memory_space<semaphore_mem>>
    %dma_start3A_19 = arith.constant 0 : i32
    %dma_start3A_20 = tpu.memref_slice %arg4[%dma_start3A_19] : memref<320000xi32, #tpu.memory_space<hbm>> -> memref<4000xi32, #tpu.memory_space<hbm>>
    tpu.enqueue_dma source(%dma_start3A_20 : memref<4000xi32, #tpu.memory_space<hbm>>) target(%arg10 : memref<4000xi32, #tpu.memory_space<vmem>>) target_semaphore(%dma_start3A_18 : memref<!tpu.dma_semaphore, #tpu.memory_space<semaphore_mem>>)
    %dma_start3A_21 = arith.constant 0 : i32
    %dma_start3A_22 = arith.constant 0 : i32
    %dma_start3A_23 = tpu.memref_slice %arg5[%dma_start3A_22] : memref<320000xi32, #tpu.memory_space<hbm>> -> memref<4000xi32, #tpu.memory_space<hbm>>
    %dma_start3A_24 = tpu.memref_slice %arg17[%dma_start3A_21] : memref<2x!tpu.dma_semaphore, #tpu.memory_space<semaphore_mem>> -> memref<1x!tpu.dma_semaphore, #tpu.memory_space<semaphore_mem>>
    %dma_start3A_25 = tpu.memref_squeeze %dma_start3A_24 : memref<1x!tpu.dma_semaphore, #tpu.memory_space<semaphore_mem>> -> memref<!tpu.dma_semaphore, #tpu.memory_space<semaphore_mem>>
    %dma_start3A_26 = arith.constant 0 : i32
    %dma_start3A_27 = tpu.memref_slice %arg5[%dma_start3A_26] : memref<320000xi32, #tpu.memory_space<hbm>> -> memref<4000xi32, #tpu.memory_space<hbm>>
    tpu.enqueue_dma source(%dma_start3A_27 : memref<4000xi32, #tpu.memory_space<hbm>>) target(%arg12 : memref<4000xi32, #tpu.memory_space<vmem>>) target_semaphore(%dma_start3A_25 : memref<!tpu.dma_semaphore, #tpu.memory_space<semaphore_mem>>)
    %dma_start3A_28 = arith.constant 0 : i32
    %dma_start3A_29 = arith.constant 0 : i32
    %dma_start3A_30 = tpu.memref_slice %arg6[%dma_start3A_29] : memref<320000xf32, #tpu.memory_space<hbm>> -> memref<4000xf32, #tpu.memory_space<hbm>>
    %dma_start3A_31 = tpu.memref_slice %arg17[%dma_start3A_28] : memref<2x!tpu.dma_semaphore, #tpu.memory_space<semaphore_mem>> -> memref<1x!tpu.dma_semaphore, #tpu.memory_space<semaphore_mem>>
    %dma_start3A_32 = tpu.memref_squeeze %dma_start3A_31 : memref<1x!tpu.dma_semaphore, #tpu.memory_space<semaphore_mem>> -> memref<!tpu.dma_semaphore, #tpu.memory_space<semaphore_mem>>
    %dma_start3A_33 = arith.constant 0 : i32
    %dma_start3A_34 = tpu.memref_slice %arg6[%dma_start3A_33] : memref<320000xf32, #tpu.memory_space<hbm>> -> memref<4000xf32, #tpu.memory_space<hbm>>
    tpu.enqueue_dma source(%dma_start3A_34 : memref<4000xf32, #tpu.memory_space<hbm>>) target(%arg14 : memref<4000xf32, #tpu.memory_space<vmem>>) target_semaphore(%dma_start3A_32 : memref<!tpu.dma_semaphore, #tpu.memory_space<semaphore_mem>>)
    %dma_start3A_35 = arith.constant 1 : i32
    %dma_start3A_36 = arith.constant 4000 : i32
    %dma_start3A_37 = tpu.memref_slice %arg4[%dma_start3A_36] : memref<320000xi32, #tpu.memory_space<hbm>> -> memref<4000xi32, #tpu.memory_space<hbm>>
    %dma_start3A_38 = tpu.memref_slice %arg17[%dma_start3A_35] : memref<2x!tpu.dma_semaphore, #tpu.memory_space<semaphore_mem>> -> memref<1x!tpu.dma_semaphore, #tpu.memory_space<semaphore_mem>>
    %dma_start3A_39 = tpu.memref_squeeze %dma_start3A_38 : memref<1x!tpu.dma_semaphore, #tpu.memory_space<semaphore_mem>> -> memref<!tpu.dma_semaphore, #tpu.memory_space<semaphore_mem>>
    %dma_start3A_40 = arith.constant 4000 : i32
    %dma_start3A_41 = tpu.memref_slice %arg4[%dma_start3A_40] : memref<320000xi32, #tpu.memory_space<hbm>> -> memref<4000xi32, #tpu.memory_space<hbm>>
    tpu.enqueue_dma source(%dma_start3A_41 : memref<4000xi32, #tpu.memory_space<hbm>>) target(%arg11 : memref<4000xi32, #tpu.memory_space<vmem>>) target_semaphore(%dma_start3A_39 : memref<!tpu.dma_semaphore, #tpu.memory_space<semaphore_mem>>)
    %dma_start3A_42 = arith.constant 1 : i32
    %dma_start3A_43 = arith.constant 4000 : i32
    %dma_start3A_44 = tpu.memref_slice %arg5[%dma_start3A_43] : memref<320000xi32, #tpu.memory_space<hbm>> -> memref<4000xi32, #tpu.memory_space<hbm>>
    %dma_start3A_45 = tpu.memref_slice %arg17[%dma_start3A_42] : memref<2x!tpu.dma_semaphore, #tpu.memory_space<semaphore_mem>> -> memref<1x!tpu.dma_semaphore, #tpu.memory_space<semaphore_mem>>
    %dma_start3A_46 = tpu.memref_squeeze %dma_start3A_45 : memref<1x!tpu.dma_semaphore, #tpu.memory_space<semaphore_mem>> -> memref<!tpu.dma_semaphore, #tpu.memory_space<semaphore_mem>>
    %dma_start3A_47 = arith.constant 4000 : i32
    %dma_start3A_48 = tpu.memref_slice %arg5[%dma_start3A_47] : memref<320000xi32, #tpu.memory_space<hbm>> -> memref<4000xi32, #tpu.memory_space<hbm>>
    tpu.enqueue_dma source(%dma_start3A_48 : memref<4000xi32, #tpu.memory_space<hbm>>) target(%arg13 : memref<4000xi32, #tpu.memory_space<vmem>>) target_semaphore(%dma_start3A_46 : memref<!tpu.dma_semaphore, #tpu.memory_space<semaphore_mem>>)
    %dma_start3A_49 = arith.constant 1 : i32
    %dma_start3A_50 = arith.constant 4000 : i32
    %dma_start3A_51 = tpu.memref_slice %arg6[%dma_start3A_50] : memref<320000xf32, #tpu.memory_space<hbm>> -> memref<4000xf32, #tpu.memory_space<hbm>>
    %dma_start3A_52 = tpu.memref_slice %arg17[%dma_start3A_49] : memref<2x!tpu.dma_semaphore, #tpu.memory_space<semaphore_mem>> -> memref<1x!tpu.dma_semaphore, #tpu.memory_space<semaphore_mem>>
    %dma_start3A_53 = tpu.memref_squeeze %dma_start3A_52 : memref<1x!tpu.dma_semaphore, #tpu.memory_space<semaphore_mem>> -> memref<!tpu.dma_semaphore, #tpu.memory_space<semaphore_mem>>
    %dma_start3A_54 = arith.constant 4000 : i32
    %dma_start3A_55 = tpu.memref_slice %arg6[%dma_start3A_54] : memref<320000xf32, #tpu.memory_space<hbm>> -> memref<4000xf32, #tpu.memory_space<hbm>>
    tpu.enqueue_dma source(%dma_start3A_55 : memref<4000xf32, #tpu.memory_space<hbm>>) target(%arg15 : memref<4000xf32, #tpu.memory_space<vmem>>) target_semaphore(%dma_start3A_53 : memref<!tpu.dma_semaphore, #tpu.memory_space<semaphore_mem>>)
    %scan3A = arith.constant 0 : i32
    %scan3A_56 = arith.constant 2.01574802 : f32
    %scan3A_57 = arith.constant 0 : i32
    %scan3A_58 = arith.constant 40 : i32
    %scan3A_59 = arith.addi %scan3A_57, %scan3A_58 : i32
    %scan3A_60 = arith.constant 1 : i32
    scf.for %scan3A_64 = %scan3A_57 to %scan3A_59 step %scan3A_60  : i32 {
      %mul3A_65 = arith.constant 2 : i32
      %mul3A_66 = arith.muli %scan3A_64, %mul3A_65 : i32
      %add3A_67 = arith.constant 0 : i32
      %add3A_68 = arith.addi %mul3A_66, %add3A_67 : i32
      %dma_wait3A = arith.constant 0 : i32
      %dma_wait3A_69 = arith.constant 0 : i32
      %dma_wait3A_70 = tpu.memref_slice %arg4[%dma_wait3A_69] : memref<320000xi32, #tpu.memory_space<hbm>> -> memref<4000xi32, #tpu.memory_space<hbm>>
      %dma_wait3A_71 = tpu.memref_slice %arg17[%dma_wait3A] : memref<2x!tpu.dma_semaphore, #tpu.memory_space<semaphore_mem>> -> memref<1x!tpu.dma_semaphore, #tpu.memory_space<semaphore_mem>>
      %dma_wait3A_72 = tpu.memref_squeeze %dma_wait3A_71 : memref<1x!tpu.dma_semaphore, #tpu.memory_space<semaphore_mem>> -> memref<!tpu.dma_semaphore, #tpu.memory_space<semaphore_mem>>
      %dma_wait3A_73 = arith.constant 0 : i32
      %dma_wait3A_74 = tpu.memref_slice %arg4[%dma_wait3A_73] : memref<320000xi32, #tpu.memory_space<hbm>> -> memref<4000xi32, #tpu.memory_space<hbm>>
      tpu.wait_dma2 semaphore(%dma_wait3A_72 : memref<!tpu.dma_semaphore, #tpu.memory_space<semaphore_mem>>) src(%dma_wait3A_74 : memref<4000xi32, #tpu.memory_space<hbm>>) dst(%arg10 : memref<4000xi32, #tpu.memory_space<vmem>>)
      %dma_wait3A_75 = arith.constant 0 : i32
      %dma_wait3A_76 = arith.constant 0 : i32
      %dma_wait3A_77 = tpu.memref_slice %arg5[%dma_wait3A_76] : memref<320000xi32, #tpu.memory_space<hbm>> -> memref<4000xi32, #tpu.memory_space<hbm>>
      %dma_wait3A_78 = tpu.memref_slice %arg17[%dma_wait3A_75] : memref<2x!tpu.dma_semaphore, #tpu.memory_space<semaphore_mem>> -> memref<1x!tpu.dma_semaphore, #tpu.memory_space<semaphore_mem>>
      %dma_wait3A_79 = tpu.memref_squeeze %dma_wait3A_78 : memref<1x!tpu.dma_semaphore, #tpu.memory_space<semaphore_mem>> -> memref<!tpu.dma_semaphore, #tpu.memory_space<semaphore_mem>>
      %dma_wait3A_80 = arith.constant 0 : i32
      %dma_wait3A_81 = tpu.memref_slice %arg5[%dma_wait3A_80] : memref<320000xi32, #tpu.memory_space<hbm>> -> memref<4000xi32, #tpu.memory_space<hbm>>
      tpu.wait_dma2 semaphore(%dma_wait3A_79 : memref<!tpu.dma_semaphore, #tpu.memory_space<semaphore_mem>>) src(%dma_wait3A_81 : memref<4000xi32, #tpu.memory_space<hbm>>) dst(%arg12 : memref<4000xi32, #tpu.memory_space<vmem>>)
      %dma_wait3A_82 = arith.constant 0 : i32
      %dma_wait3A_83 = arith.constant 0 : i32
      %dma_wait3A_84 = tpu.memref_slice %arg6[%dma_wait3A_83] : memref<320000xf32, #tpu.memory_space<hbm>> -> memref<4000xf32, #tpu.memory_space<hbm>>
      %dma_wait3A_85 = tpu.memref_slice %arg17[%dma_wait3A_82] : memref<2x!tpu.dma_semaphore, #tpu.memory_space<semaphore_mem>> -> memref<1x!tpu.dma_semaphore, #tpu.memory_space<semaphore_mem>>
      %dma_wait3A_86 = tpu.memref_squeeze %dma_wait3A_85 : memref<1x!tpu.dma_semaphore, #tpu.memory_space<semaphore_mem>> -> memref<!tpu.dma_semaphore, #tpu.memory_space<semaphore_mem>>
      %dma_wait3A_87 = arith.constant 0 : i32
      %dma_wait3A_88 = tpu.memref_slice %arg6[%dma_wait3A_87] : memref<320000xf32, #tpu.memory_space<hbm>> -> memref<4000xf32, #tpu.memory_space<hbm>>
      tpu.wait_dma2 semaphore(%dma_wait3A_86 : memref<!tpu.dma_semaphore, #tpu.memory_space<semaphore_mem>>) src(%dma_wait3A_88 : memref<4000xf32, #tpu.memory_space<hbm>>) dst(%arg14 : memref<4000xf32, #tpu.memory_space<vmem>>)
      %parallel_loop3A_89 = arith.constant 0 : i32
      %parallel_loop3A_90 = arith.constant 250 : i32
      %parallel_loop3A_91 = arith.constant 1 : i32
      scf.for %parallel_loop3A_131 = %parallel_loop3A_89 to %parallel_loop3A_90 step %parallel_loop3A_91  : i32 {
        %parallel_loop3A_132 = arith.constant 16 : i32
        %parallel_loop3A_133 = arith.muli %parallel_loop3A_131, %parallel_loop3A_132 : i32
        %parallel_loop3A_134 = arith.index_cast %parallel_loop3A_133 : i32 to index
        %parallel_loop3A_135 = tpu.vector_load %arg10[%parallel_loop3A_134] {strides = array<i32>} : memref<4000xi32, #tpu.memory_space<vmem>>, vector<16xi32>,
        %parallel_loop3A_136 = arith.constant 16 : i32
        %parallel_loop3A_137 = arith.muli %parallel_loop3A_131, %parallel_loop3A_136 : i32
        %parallel_loop3A_138 = arith.index_cast %parallel_loop3A_137 : i32 to index
        %parallel_loop3A_139 = tpu.vector_load %arg12[%parallel_loop3A_138] {strides = array<i32>} : memref<4000xi32, #tpu.memory_space<vmem>>, vector<16xi32>,
        %parallel_loop3A_140 = arith.constant 16 : i32
        %parallel_loop3A_141 = arith.muli %parallel_loop3A_131, %parallel_loop3A_140 : i32
        %parallel_loop3A_142 = arith.index_cast %parallel_loop3A_141 : i32 to index
        %parallel_loop3A_143 = tpu.vector_load %arg14[%parallel_loop3A_142] {strides = array<i32>} : memref<4000xf32, #tpu.memory_space<vmem>>, vector<16xf32>,
        %parallel_loop3A_144 = arith.constant 8.000000e-01 : f32
        %parallel_loop3A_145 = vector.broadcast %parallel_loop3A_144 : f32 to vector<16xf32>
        %parallel_loop3A_146 = arith.subf %parallel_loop3A_143, %parallel_loop3A_145 : vector<16xf32>
        %parallel_loop3A_147 = arith.constant 5.000000e+00 : f32
        %parallel_loop3A_148 = vector.broadcast %parallel_loop3A_147 : f32 to vector<16xf32>
        %parallel_loop3A_149 = arith.mulf %parallel_loop3A_146, %parallel_loop3A_148 : vector<16xf32>
        %parallel_loop3A_150 = arith.constant 0.000000e+00 : f32
        %parallel_loop3A_151 = arith.constant 1.000000e+00 : f32
        %parallel_loop3A_152 = vector.broadcast %parallel_loop3A_150 : f32 to vector<16xf32>
        %parallel_loop3A_153 = arith.maximumf %parallel_loop3A_152, %parallel_loop3A_149 : vector<16xf32>
        %parallel_loop3A_154 = vector.broadcast %parallel_loop3A_151 : f32 to vector<16xf32>
        %parallel_loop3A_155 = arith.minimumf %parallel_loop3A_154, %parallel_loop3A_153 : vector<16xf32>
        %parallel_loop3A_156 = arith.constant -1.15892327 : f32
        %parallel_loop3A_157 = vector.broadcast %parallel_loop3A_156 : f32 to vector<16xf32>
        %parallel_loop3A_158 = arith.mulf %parallel_loop3A_157, %parallel_loop3A_155 : vector<16xf32>
        %parallel_loop3A_159 = arith.constant 2.89730811 : f32
        %parallel_loop3A_160 = vector.broadcast %parallel_loop3A_159 : f32 to vector<16xf32>
        %parallel_loop3A_161 = arith.addf %parallel_loop3A_158, %parallel_loop3A_160 : vector<16xf32>
        %parallel_loop3A_162 = arith.mulf %parallel_loop3A_161, %parallel_loop3A_155 : vector<16xf32>
        %parallel_loop3A_163 = arith.constant -0.326471061 : f32
        %parallel_loop3A_164 = vector.broadcast %parallel_loop3A_163 : f32 to vector<16xf32>
        %parallel_loop3A_165 = arith.addf %parallel_loop3A_162, %parallel_loop3A_164 : vector<16xf32>
        %parallel_loop3A_166 = arith.mulf %parallel_loop3A_165, %parallel_loop3A_155 : vector<16xf32>
        %parallel_loop3A_167 = arith.constant -2.40760159 : f32
        %parallel_loop3A_168 = vector.broadcast %parallel_loop3A_167 : f32 to vector<16xf32>
        %parallel_loop3A_169 = arith.addf %parallel_loop3A_166, %parallel_loop3A_168 : vector<16xf32>
        %parallel_loop3A_170 = arith.mulf %parallel_loop3A_169, %parallel_loop3A_155 : vector<16xf32>
        %parallel_loop3A_171 = arith.constant -0.00447287969 : f32
        %parallel_loop3A_172 = vector.broadcast %parallel_loop3A_171 : f32 to vector<16xf32>
        %parallel_loop3A_173 = arith.addf %parallel_loop3A_170, %parallel_loop3A_172 : vector<16xf32>
        %parallel_loop3A_174 = arith.mulf %parallel_loop3A_173, %parallel_loop3A_155 : vector<16xf32>
        %parallel_loop3A_175 = arith.constant 1.00008035 : f32
        %parallel_loop3A_176 = vector.broadcast %parallel_loop3A_175 : f32 to vector<16xf32>
        %parallel_loop3A_177 = arith.addf %parallel_loop3A_174, %parallel_loop3A_176 : vector<16xf32>
        %parallel_loop3A_178 = vector.broadcast %squeeze3A : f32 to vector<16xf32>
        %parallel_loop3A_179 = arith.subf %parallel_loop3A_143, %parallel_loop3A_178 : vector<16xf32>
        %parallel_loop3A_180 = arith.mulf %parallel_loop3A_179, %parallel_loop3A_179 : vector<16xf32>
        %parallel_loop3A_181 = arith.constant -1.280000e+02 : f32
        %parallel_loop3A_182 = vector.broadcast %parallel_loop3A_181 : f32 to vector<16xf32>
        %parallel_loop3A_183 = arith.mulf %parallel_loop3A_180, %parallel_loop3A_182 : vector<16xf32>
        %parallel_loop3A_184 = math.exp %parallel_loop3A_183 : vector<16xf32>
        %parallel_loop3A_185 = arith.mulf %parallel_loop3A_184, %parallel_loop3A_177 : vector<16xf32>
        %parallel_loop3A_186 = vector.broadcast %scan3A_56 : f32 to vector<16xf32>
        %parallel_loop3A_187 = arith.mulf %parallel_loop3A_143, %parallel_loop3A_186 : vector<16xf32>
        %parallel_loop3A_188 = math.exp %parallel_loop3A_187 : vector<16xf32>
        %parallel_loop3A_189 = arith.constant 0 : i32
        %parallel_loop3A_190 = vector.broadcast %parallel_loop3A_189 : i32 to vector<16xi32>
        %parallel_loop3A_191 = arith.addi %parallel_loop3A_135, %parallel_loop3A_190 : vector<16xi32>
        %parallel_loop3A_192 = tpu.vector_load_idx %arg8[%parallel_loop3A_191] : memref<40000xf32, #tpu.memory_space<vmem>>[vector<16xi32>], vector<16xf32>,
        %parallel_loop3A_193 = arith.constant 0 : i32
        %parallel_loop3A_194 = vector.broadcast %parallel_loop3A_193 : i32 to vector<16xi32>
        %parallel_loop3A_195 = arith.addi %parallel_loop3A_139, %parallel_loop3A_194 : vector<16xi32>
        %parallel_loop3A_196 = arith.mulf %parallel_loop3A_192, %parallel_loop3A_185 : vector<16xf32>
        tpu.vector_store_idx %arg9[%parallel_loop3A_195], %parallel_loop3A_196 {add = true} : memref<40000xf32, #tpu.memory_space<vmem>>[vector<16xi32>], vector<16xf32>,
        %parallel_loop3A_197 = vector.broadcast %squeeze3A_10 : f32 to vector<16xf32>
        %parallel_loop3A_198 = arith.mulf %parallel_loop3A_188, %parallel_loop3A_197 : vector<16xf32>
        %parallel_loop3A_199 = arith.mulf %parallel_loop3A_185, %parallel_loop3A_198 : vector<16xf32>
        %parallel_loop3A_200 = arith.constant 10000 : i32
        %parallel_loop3A_201 = vector.broadcast %parallel_loop3A_200 : i32 to vector<16xi32>
        %parallel_loop3A_202 = arith.addi %parallel_loop3A_135, %parallel_loop3A_201 : vector<16xi32>
        %parallel_loop3A_203 = tpu.vector_load_idx %arg8[%parallel_loop3A_202] : memref<40000xf32, #tpu.memory_space<vmem>>[vector<16xi32>], vector<16xf32>,
        %parallel_loop3A_204 = arith.constant 10000 : i32
        %parallel_loop3A_205 = vector.broadcast %parallel_loop3A_204 : i32 to vector<16xi32>
        %parallel_loop3A_206 = arith.addi %parallel_loop3A_139, %parallel_loop3A_205 : vector<16xi32>
        %parallel_loop3A_207 = arith.mulf %parallel_loop3A_203, %parallel_loop3A_199 : vector<16xf32>
        tpu.vector_store_idx %arg9[%parallel_loop3A_206], %parallel_loop3A_207 {add = true} : memref<40000xf32, #tpu.memory_space<vmem>>[vector<16xi32>], vector<16xf32>,
        %parallel_loop3A_208 = vector.broadcast %squeeze3A_12 : f32 to vector<16xf32>
        %parallel_loop3A_209 = arith.mulf %parallel_loop3A_188, %parallel_loop3A_208 : vector<16xf32>
        %parallel_loop3A_210 = arith.mulf %parallel_loop3A_199, %parallel_loop3A_209 : vector<16xf32>
        %parallel_loop3A_211 = arith.constant 20000 : i32
        %parallel_loop3A_212 = vector.broadcast %parallel_loop3A_211 : i32 to vector<16xi32>
        %parallel_loop3A_213 = arith.addi %parallel_loop3A_135, %parallel_loop3A_212 : vector<16xi32>
        %parallel_loop3A_214 = tpu.vector_load_idx %arg8[%parallel_loop3A_213] : memref<40000xf32, #tpu.memory_space<vmem>>[vector<16xi32>], vector<16xf32>,
        %parallel_loop3A_215 = arith.constant 20000 : i32
        %parallel_loop3A_216 = vector.broadcast %parallel_loop3A_215 : i32 to vector<16xi32>
        %parallel_loop3A_217 = arith.addi %parallel_loop3A_139, %parallel_loop3A_216 : vector<16xi32>
        %parallel_loop3A_218 = arith.mulf %parallel_loop3A_214, %parallel_loop3A_210 : vector<16xf32>
        tpu.vector_store_idx %arg9[%parallel_loop3A_217], %parallel_loop3A_218 {add = true} : memref<40000xf32, #tpu.memory_space<vmem>>[vector<16xi32>], vector<16xf32>,
        %parallel_loop3A_219 = vector.broadcast %squeeze3A_14 : f32 to vector<16xf32>
        %parallel_loop3A_220 = arith.mulf %parallel_loop3A_188, %parallel_loop3A_219 : vector<16xf32>
        %parallel_loop3A_221 = arith.mulf %parallel_loop3A_210, %parallel_loop3A_220 : vector<16xf32>
        %parallel_loop3A_222 = arith.constant 30000 : i32
        %parallel_loop3A_223 = vector.broadcast %parallel_loop3A_222 : i32 to vector<16xi32>
        %parallel_loop3A_224 = arith.addi %parallel_loop3A_135, %parallel_loop3A_223 : vector<16xi32>
        %parallel_loop3A_225 = tpu.vector_load_idx %arg8[%parallel_loop3A_224] : memref<40000xf32, #tpu.memory_space<vmem>>[vector<16xi32>], vector<16xf32>,
        %parallel_loop3A_226 = arith.constant 30000 : i32
        %parallel_loop3A_227 = vector.broadcast %parallel_loop3A_226 : i32 to vector<16xi32>
        %parallel_loop3A_228 = arith.addi %parallel_loop3A_139, %parallel_loop3A_227 : vector<16xi32>
        %parallel_loop3A_229 = arith.mulf %parallel_loop3A_225, %parallel_loop3A_221 : vector<16xf32>
        tpu.vector_store_idx %arg9[%parallel_loop3A_228], %parallel_loop3A_229 {add = true} : memref<40000xf32, #tpu.memory_space<vmem>>[vector<16xi32>], vector<16xf32>,
      } {sc.loop_unroll_factor = 4 : i64, sc.parallel_access}
      %add3A_92 = arith.constant 2 : i32
      %add3A_93 = arith.addi %add3A_68, %add3A_92 : i32
      %lt3A = arith.constant 80 : i32
      %lt3A_94 = arith.cmpi slt, %add3A_93, %lt3A : i32
      %convert_element_type3A = arith.extui %lt3A_94 : i1 to i32
      %cond3A = arith.constant 0 : i32
      %cond3A_95 = arith.cmpi ne, %convert_element_type3A, %cond3A : i32
      scf.if %cond3A_95 {
        %add3A_131 = arith.constant 2 : i32
        %add3A_132 = arith.addi %add3A_68, %add3A_131 : i32
        %mul3A_133 = arith.constant 4000 : i32
        %mul3A_134 = arith.muli %add3A_132, %mul3A_133 : i32
        %dma_start3A_135 = arith.constant 0 : i32
        %dma_start3A_136 = tpu.memref_slice %arg4[%mul3A_134] : memref<320000xi32, #tpu.memory_space<hbm>> -> memref<4000xi32, #tpu.memory_space<hbm>>
        %dma_start3A_137 = tpu.memref_slice %arg17[%dma_start3A_135] : memref<2x!tpu.dma_semaphore, #tpu.memory_space<semaphore_mem>> -> memref<1x!tpu.dma_semaphore, #tpu.memory_space<semaphore_mem>>
        %dma_start3A_138 = tpu.memref_squeeze %dma_start3A_137 : memref<1x!tpu.dma_semaphore, #tpu.memory_space<semaphore_mem>> -> memref<!tpu.dma_semaphore, #tpu.memory_space<semaphore_mem>>
        %dma_start3A_139 = tpu.memref_slice %arg4[%mul3A_134] : memref<320000xi32, #tpu.memory_space<hbm>> -> memref<4000xi32, #tpu.memory_space<hbm>>
        tpu.enqueue_dma source(%dma_start3A_139 : memref<4000xi32, #tpu.memory_space<hbm>>) target(%arg10 : memref<4000xi32, #tpu.memory_space<vmem>>) target_semaphore(%dma_start3A_138 : memref<!tpu.dma_semaphore, #tpu.memory_space<semaphore_mem>>)
        %dma_start3A_140 = arith.constant 0 : i32
        %dma_start3A_141 = tpu.memref_slice %arg5[%mul3A_134] : memref<320000xi32, #tpu.memory_space<hbm>> -> memref<4000xi32, #tpu.memory_space<hbm>>
        %dma_start3A_142 = tpu.memref_slice %arg17[%dma_start3A_140] : memref<2x!tpu.dma_semaphore, #tpu.memory_space<semaphore_mem>> -> memref<1x!tpu.dma_semaphore, #tpu.memory_space<semaphore_mem>>
        %dma_start3A_143 = tpu.memref_squeeze %dma_start3A_142 : memref<1x!tpu.dma_semaphore, #tpu.memory_space<semaphore_mem>> -> memref<!tpu.dma_semaphore, #tpu.memory_space<semaphore_mem>>
        %dma_start3A_144 = tpu.memref_slice %arg5[%mul3A_134] : memref<320000xi32, #tpu.memory_space<hbm>> -> memref<4000xi32, #tpu.memory_space<hbm>>
        tpu.enqueue_dma source(%dma_start3A_144 : memref<4000xi32, #tpu.memory_space<hbm>>) target(%arg12 : memref<4000xi32, #tpu.memory_space<vmem>>) target_semaphore(%dma_start3A_143 : memref<!tpu.dma_semaphore, #tpu.memory_space<semaphore_mem>>)
        %dma_start3A_145 = arith.constant 0 : i32
        %dma_start3A_146 = tpu.memref_slice %arg6[%mul3A_134] : memref<320000xf32, #tpu.memory_space<hbm>> -> memref<4000xf32, #tpu.memory_space<hbm>>
        %dma_start3A_147 = tpu.memref_slice %arg17[%dma_start3A_145] : memref<2x!tpu.dma_semaphore, #tpu.memory_space<semaphore_mem>> -> memref<1x!tpu.dma_semaphore, #tpu.memory_space<semaphore_mem>>
        %dma_start3A_148 = tpu.memref_squeeze %dma_start3A_147 : memref<1x!tpu.dma_semaphore, #tpu.memory_space<semaphore_mem>> -> memref<!tpu.dma_semaphore, #tpu.memory_space<semaphore_mem>>
        %dma_start3A_149 = tpu.memref_slice %arg6[%mul3A_134] : memref<320000xf32, #tpu.memory_space<hbm>> -> memref<4000xf32, #tpu.memory_space<hbm>>
        tpu.enqueue_dma source(%dma_start3A_149 : memref<4000xf32, #tpu.memory_space<hbm>>) target(%arg14 : memref<4000xf32, #tpu.memory_space<vmem>>) target_semaphore(%dma_start3A_148 : memref<!tpu.dma_semaphore, #tpu.memory_space<semaphore_mem>>)
      } else {
      }
      %mul3A_96 = arith.constant 2 : i32
      %mul3A_97 = arith.muli %scan3A_64, %mul3A_96 : i32
      %add3A_98 = arith.constant 1 : i32
      %add3A_99 = arith.addi %mul3A_97, %add3A_98 : i32
      %dma_wait3A_100 = arith.constant 1 : i32
      %dma_wait3A_101 = arith.constant 0 : i32
      %dma_wait3A_102 = tpu.memref_slice %arg4[%dma_wait3A_101] : memref<320000xi32, #tpu.memory_space<hbm>> -> memref<4000xi32, #tpu.memory_space<hbm>>
      %dma_wait3A_103 = tpu.memref_slice %arg17[%dma_wait3A_100] : memref<2x!tpu.dma_semaphore, #tpu.memory_space<semaphore_mem>> -> memref<1x!tpu.dma_semaphore, #tpu.memory_space<semaphore_mem>>
      %dma_wait3A_104 = tpu.memref_squeeze %dma_wait3A_103 : memref<1x!tpu.dma_semaphore, #tpu.memory_space<semaphore_mem>> -> memref<!tpu.dma_semaphore, #tpu.memory_space<semaphore_mem>>
      %dma_wait3A_105 = arith.constant 0 : i32
      %dma_wait3A_106 = tpu.memref_slice %arg4[%dma_wait3A_105] : memref<320000xi32, #tpu.memory_space<hbm>> -> memref<4000xi32, #tpu.memory_space<hbm>>
      tpu.wait_dma2 semaphore(%dma_wait3A_104 : memref<!tpu.dma_semaphore, #tpu.memory_space<semaphore_mem>>) src(%dma_wait3A_106 : memref<4000xi32, #tpu.memory_space<hbm>>) dst(%arg11 : memref<4000xi32, #tpu.memory_space<vmem>>)
      %dma_wait3A_107 = arith.constant 1 : i32
      %dma_wait3A_108 = arith.constant 0 : i32
      %dma_wait3A_109 = tpu.memref_slice %arg5[%dma_wait3A_108] : memref<320000xi32, #tpu.memory_space<hbm>> -> memref<4000xi32, #tpu.memory_space<hbm>>
      %dma_wait3A_110 = tpu.memref_slice %arg17[%dma_wait3A_107] : memref<2x!tpu.dma_semaphore, #tpu.memory_space<semaphore_mem>> -> memref<1x!tpu.dma_semaphore, #tpu.memory_space<semaphore_mem>>
      %dma_wait3A_111 = tpu.memref_squeeze %dma_wait3A_110 : memref<1x!tpu.dma_semaphore, #tpu.memory_space<semaphore_mem>> -> memref<!tpu.dma_semaphore, #tpu.memory_space<semaphore_mem>>
      %dma_wait3A_112 = arith.constant 0 : i32
      %dma_wait3A_113 = tpu.memref_slice %arg5[%dma_wait3A_112] : memref<320000xi32, #tpu.memory_space<hbm>> -> memref<4000xi32, #tpu.memory_space<hbm>>
      tpu.wait_dma2 semaphore(%dma_wait3A_111 : memref<!tpu.dma_semaphore, #tpu.memory_space<semaphore_mem>>) src(%dma_wait3A_113 : memref<4000xi32, #tpu.memory_space<hbm>>) dst(%arg13 : memref<4000xi32, #tpu.memory_space<vmem>>)
      %dma_wait3A_114 = arith.constant 1 : i32
      %dma_wait3A_115 = arith.constant 0 : i32
      %dma_wait3A_116 = tpu.memref_slice %arg6[%dma_wait3A_115] : memref<320000xf32, #tpu.memory_space<hbm>> -> memref<4000xf32, #tpu.memory_space<hbm>>
      %dma_wait3A_117 = tpu.memref_slice %arg17[%dma_wait3A_114] : memref<2x!tpu.dma_semaphore, #tpu.memory_space<semaphore_mem>> -> memref<1x!tpu.dma_semaphore, #tpu.memory_space<semaphore_mem>>
      %dma_wait3A_118 = tpu.memref_squeeze %dma_wait3A_117 : memref<1x!tpu.dma_semaphore, #tpu.memory_space<semaphore_mem>> -> memref<!tpu.dma_semaphore, #tpu.memory_space<semaphore_mem>>
      %dma_wait3A_119 = arith.constant 0 : i32
      %dma_wait3A_120 = tpu.memref_slice %arg6[%dma_wait3A_119] : memref<320000xf32, #tpu.memory_space<hbm>> -> memref<4000xf32, #tpu.memory_space<hbm>>
      tpu.wait_dma2 semaphore(%dma_wait3A_118 : memref<!tpu.dma_semaphore, #tpu.memory_space<semaphore_mem>>) src(%dma_wait3A_120 : memref<4000xf32, #tpu.memory_space<hbm>>) dst(%arg15 : memref<4000xf32, #tpu.memory_space<vmem>>)
      %parallel_loop3A_121 = arith.constant 0 : i32
      %parallel_loop3A_122 = arith.constant 250 : i32
      %parallel_loop3A_123 = arith.constant 1 : i32
      scf.for %parallel_loop3A_131 = %parallel_loop3A_121 to %parallel_loop3A_122 step %parallel_loop3A_123  : i32 {
        %parallel_loop3A_132 = arith.constant 16 : i32
        %parallel_loop3A_133 = arith.muli %parallel_loop3A_131, %parallel_loop3A_132 : i32
        %parallel_loop3A_134 = arith.index_cast %parallel_loop3A_133 : i32 to index
        %parallel_loop3A_135 = tpu.vector_load %arg11[%parallel_loop3A_134] {strides = array<i32>} : memref<4000xi32, #tpu.memory_space<vmem>>, vector<16xi32>,
        %parallel_loop3A_136 = arith.constant 16 : i32
        %parallel_loop3A_137 = arith.muli %parallel_loop3A_131, %parallel_loop3A_136 : i32
        %parallel_loop3A_138 = arith.index_cast %parallel_loop3A_137 : i32 to index
        %parallel_loop3A_139 = tpu.vector_load %arg13[%parallel_loop3A_138] {strides = array<i32>} : memref<4000xi32, #tpu.memory_space<vmem>>, vector<16xi32>,
        %parallel_loop3A_140 = arith.constant 16 : i32
        %parallel_loop3A_141 = arith.muli %parallel_loop3A_131, %parallel_loop3A_140 : i32
        %parallel_loop3A_142 = arith.index_cast %parallel_loop3A_141 : i32 to index
        %parallel_loop3A_143 = tpu.vector_load %arg15[%parallel_loop3A_142] {strides = array<i32>} : memref<4000xf32, #tpu.memory_space<vmem>>, vector<16xf32>,
        %parallel_loop3A_144 = arith.constant 8.000000e-01 : f32
        %parallel_loop3A_145 = vector.broadcast %parallel_loop3A_144 : f32 to vector<16xf32>
        %parallel_loop3A_146 = arith.subf %parallel_loop3A_143, %parallel_loop3A_145 : vector<16xf32>
        %parallel_loop3A_147 = arith.constant 5.000000e+00 : f32
        %parallel_loop3A_148 = vector.broadcast %parallel_loop3A_147 : f32 to vector<16xf32>
        %parallel_loop3A_149 = arith.mulf %parallel_loop3A_146, %parallel_loop3A_148 : vector<16xf32>
        %parallel_loop3A_150 = arith.constant 0.000000e+00 : f32
        %parallel_loop3A_151 = arith.constant 1.000000e+00 : f32
        %parallel_loop3A_152 = vector.broadcast %parallel_loop3A_150 : f32 to vector<16xf32>
        %parallel_loop3A_153 = arith.maximumf %parallel_loop3A_152, %parallel_loop3A_149 : vector<16xf32>
        %parallel_loop3A_154 = vector.broadcast %parallel_loop3A_151 : f32 to vector<16xf32>
        %parallel_loop3A_155 = arith.minimumf %parallel_loop3A_154, %parallel_loop3A_153 : vector<16xf32>
        %parallel_loop3A_156 = arith.constant -1.15892327 : f32
        %parallel_loop3A_157 = vector.broadcast %parallel_loop3A_156 : f32 to vector<16xf32>
        %parallel_loop3A_158 = arith.mulf %parallel_loop3A_157, %parallel_loop3A_155 : vector<16xf32>
        %parallel_loop3A_159 = arith.constant 2.89730811 : f32
        %parallel_loop3A_160 = vector.broadcast %parallel_loop3A_159 : f32 to vector<16xf32>
        %parallel_loop3A_161 = arith.addf %parallel_loop3A_158, %parallel_loop3A_160 : vector<16xf32>
        %parallel_loop3A_162 = arith.mulf %parallel_loop3A_161, %parallel_loop3A_155 : vector<16xf32>
        %parallel_loop3A_163 = arith.constant -0.326471061 : f32
        %parallel_loop3A_164 = vector.broadcast %parallel_loop3A_163 : f32 to vector<16xf32>
        %parallel_loop3A_165 = arith.addf %parallel_loop3A_162, %parallel_loop3A_164 : vector<16xf32>
        %parallel_loop3A_166 = arith.mulf %parallel_loop3A_165, %parallel_loop3A_155 : vector<16xf32>
        %parallel_loop3A_167 = arith.constant -2.40760159 : f32
        %parallel_loop3A_168 = vector.broadcast %parallel_loop3A_167 : f32 to vector<16xf32>
        %parallel_loop3A_169 = arith.addf %parallel_loop3A_166, %parallel_loop3A_168 : vector<16xf32>
        %parallel_loop3A_170 = arith.mulf %parallel_loop3A_169, %parallel_loop3A_155 : vector<16xf32>
        %parallel_loop3A_171 = arith.constant -0.00447287969 : f32
        %parallel_loop3A_172 = vector.broadcast %parallel_loop3A_171 : f32 to vector<16xf32>
        %parallel_loop3A_173 = arith.addf %parallel_loop3A_170, %parallel_loop3A_172 : vector<16xf32>
        %parallel_loop3A_174 = arith.mulf %parallel_loop3A_173, %parallel_loop3A_155 : vector<16xf32>
        %parallel_loop3A_175 = arith.constant 1.00008035 : f32
        %parallel_loop3A_176 = vector.broadcast %parallel_loop3A_175 : f32 to vector<16xf32>
        %parallel_loop3A_177 = arith.addf %parallel_loop3A_174, %parallel_loop3A_176 : vector<16xf32>
        %parallel_loop3A_178 = vector.broadcast %squeeze3A : f32 to vector<16xf32>
        %parallel_loop3A_179 = arith.subf %parallel_loop3A_143, %parallel_loop3A_178 : vector<16xf32>
        %parallel_loop3A_180 = arith.mulf %parallel_loop3A_179, %parallel_loop3A_179 : vector<16xf32>
        %parallel_loop3A_181 = arith.constant -1.280000e+02 : f32
        %parallel_loop3A_182 = vector.broadcast %parallel_loop3A_181 : f32 to vector<16xf32>
        %parallel_loop3A_183 = arith.mulf %parallel_loop3A_180, %parallel_loop3A_182 : vector<16xf32>
        %parallel_loop3A_184 = math.exp %parallel_loop3A_183 : vector<16xf32>
        %parallel_loop3A_185 = arith.mulf %parallel_loop3A_184, %parallel_loop3A_177 : vector<16xf32>
        %parallel_loop3A_186 = vector.broadcast %scan3A_56 : f32 to vector<16xf32>
        %parallel_loop3A_187 = arith.mulf %parallel_loop3A_143, %parallel_loop3A_186 : vector<16xf32>
        %parallel_loop3A_188 = math.exp %parallel_loop3A_187 : vector<16xf32>
        %parallel_loop3A_189 = arith.constant 0 : i32
        %parallel_loop3A_190 = vector.broadcast %parallel_loop3A_189 : i32 to vector<16xi32>
        %parallel_loop3A_191 = arith.addi %parallel_loop3A_135, %parallel_loop3A_190 : vector<16xi32>
        %parallel_loop3A_192 = tpu.vector_load_idx %arg8[%parallel_loop3A_191] : memref<40000xf32, #tpu.memory_space<vmem>>[vector<16xi32>], vector<16xf32>,
        %parallel_loop3A_193 = arith.constant 0 : i32
        %parallel_loop3A_194 = vector.broadcast %parallel_loop3A_193 : i32 to vector<16xi32>
        %parallel_loop3A_195 = arith.addi %parallel_loop3A_139, %parallel_loop3A_194 : vector<16xi32>
        %parallel_loop3A_196 = arith.mulf %parallel_loop3A_192, %parallel_loop3A_185 : vector<16xf32>
        tpu.vector_store_idx %arg9[%parallel_loop3A_195], %parallel_loop3A_196 {add = true} : memref<40000xf32, #tpu.memory_space<vmem>>[vector<16xi32>], vector<16xf32>,
        %parallel_loop3A_197 = vector.broadcast %squeeze3A_10 : f32 to vector<16xf32>
        %parallel_loop3A_198 = arith.mulf %parallel_loop3A_188, %parallel_loop3A_197 : vector<16xf32>
        %parallel_loop3A_199 = arith.mulf %parallel_loop3A_185, %parallel_loop3A_198 : vector<16xf32>
        %parallel_loop3A_200 = arith.constant 10000 : i32
        %parallel_loop3A_201 = vector.broadcast %parallel_loop3A_200 : i32 to vector<16xi32>
        %parallel_loop3A_202 = arith.addi %parallel_loop3A_135, %parallel_loop3A_201 : vector<16xi32>
        %parallel_loop3A_203 = tpu.vector_load_idx %arg8[%parallel_loop3A_202] : memref<40000xf32, #tpu.memory_space<vmem>>[vector<16xi32>], vector<16xf32>,
        %parallel_loop3A_204 = arith.constant 10000 : i32
        %parallel_loop3A_205 = vector.broadcast %parallel_loop3A_204 : i32 to vector<16xi32>
        %parallel_loop3A_206 = arith.addi %parallel_loop3A_139, %parallel_loop3A_205 : vector<16xi32>
        %parallel_loop3A_207 = arith.mulf %parallel_loop3A_203, %parallel_loop3A_199 : vector<16xf32>
        tpu.vector_store_idx %arg9[%parallel_loop3A_206], %parallel_loop3A_207 {add = true} : memref<40000xf32, #tpu.memory_space<vmem>>[vector<16xi32>], vector<16xf32>,
        %parallel_loop3A_208 = vector.broadcast %squeeze3A_12 : f32 to vector<16xf32>
        %parallel_loop3A_209 = arith.mulf %parallel_loop3A_188, %parallel_loop3A_208 : vector<16xf32>
        %parallel_loop3A_210 = arith.mulf %parallel_loop3A_199, %parallel_loop3A_209 : vector<16xf32>
        %parallel_loop3A_211 = arith.constant 20000 : i32
        %parallel_loop3A_212 = vector.broadcast %parallel_loop3A_211 : i32 to vector<16xi32>
        %parallel_loop3A_213 = arith.addi %parallel_loop3A_135, %parallel_loop3A_212 : vector<16xi32>
        %parallel_loop3A_214 = tpu.vector_load_idx %arg8[%parallel_loop3A_213] : memref<40000xf32, #tpu.memory_space<vmem>>[vector<16xi32>], vector<16xf32>,
        %parallel_loop3A_215 = arith.constant 20000 : i32
        %parallel_loop3A_216 = vector.broadcast %parallel_loop3A_215 : i32 to vector<16xi32>
        %parallel_loop3A_217 = arith.addi %parallel_loop3A_139, %parallel_loop3A_216 : vector<16xi32>
        %parallel_loop3A_218 = arith.mulf %parallel_loop3A_214, %parallel_loop3A_210 : vector<16xf32>
        tpu.vector_store_idx %arg9[%parallel_loop3A_217], %parallel_loop3A_218 {add = true} : memref<40000xf32, #tpu.memory_space<vmem>>[vector<16xi32>], vector<16xf32>,
        %parallel_loop3A_219 = vector.broadcast %squeeze3A_14 : f32 to vector<16xf32>
        %parallel_loop3A_220 = arith.mulf %parallel_loop3A_188, %parallel_loop3A_219 : vector<16xf32>
        %parallel_loop3A_221 = arith.mulf %parallel_loop3A_210, %parallel_loop3A_220 : vector<16xf32>
        %parallel_loop3A_222 = arith.constant 30000 : i32
        %parallel_loop3A_223 = vector.broadcast %parallel_loop3A_222 : i32 to vector<16xi32>
        %parallel_loop3A_224 = arith.addi %parallel_loop3A_135, %parallel_loop3A_223 : vector<16xi32>
        %parallel_loop3A_225 = tpu.vector_load_idx %arg8[%parallel_loop3A_224] : memref<40000xf32, #tpu.memory_space<vmem>>[vector<16xi32>], vector<16xf32>,
        %parallel_loop3A_226 = arith.constant 30000 : i32
        %parallel_loop3A_227 = vector.broadcast %parallel_loop3A_226 : i32 to vector<16xi32>
        %parallel_loop3A_228 = arith.addi %parallel_loop3A_139, %parallel_loop3A_227 : vector<16xi32>
        %parallel_loop3A_229 = arith.mulf %parallel_loop3A_225, %parallel_loop3A_221 : vector<16xf32>
        tpu.vector_store_idx %arg9[%parallel_loop3A_228], %parallel_loop3A_229 {add = true} : memref<40000xf32, #tpu.memory_space<vmem>>[vector<16xi32>], vector<16xf32>,
      } {sc.loop_unroll_factor = 4 : i64, sc.parallel_access}
      %add3A_124 = arith.constant 2 : i32
      %add3A_125 = arith.addi %add3A_99, %add3A_124 : i32
      %lt3A_126 = arith.constant 80 : i32
      %lt3A_127 = arith.cmpi slt, %add3A_125, %lt3A_126 : i32
      %convert_element_type3A_128 = arith.extui %lt3A_127 : i1 to i32
      %cond3A_129 = arith.constant 0 : i32
      %cond3A_130 = arith.cmpi ne, %convert_element_type3A_128, %cond3A_129 : i32
      scf.if %cond3A_130 {
        %add3A_131 = arith.constant 2 : i32
        %add3A_132 = arith.addi %add3A_99, %add3A_131 : i32
        %mul3A_133 = arith.constant 4000 : i32
        %mul3A_134 = arith.muli %add3A_132, %mul3A_133 : i32
        %dma_start3A_135 = arith.constant 1 : i32
        %dma_start3A_136 = tpu.memref_slice %arg4[%mul3A_134] : memref<320000xi32, #tpu.memory_space<hbm>> -> memref<4000xi32, #tpu.memory_space<hbm>>
        %dma_start3A_137 = tpu.memref_slice %arg17[%dma_start3A_135] : memref<2x!tpu.dma_semaphore, #tpu.memory_space<semaphore_mem>> -> memref<1x!tpu.dma_semaphore, #tpu.memory_space<semaphore_mem>>
        %dma_start3A_138 = tpu.memref_squeeze %dma_start3A_137 : memref<1x!tpu.dma_semaphore, #tpu.memory_space<semaphore_mem>> -> memref<!tpu.dma_semaphore, #tpu.memory_space<semaphore_mem>>
        %dma_start3A_139 = tpu.memref_slice %arg4[%mul3A_134] : memref<320000xi32, #tpu.memory_space<hbm>> -> memref<4000xi32, #tpu.memory_space<hbm>>
        tpu.enqueue_dma source(%dma_start3A_139 : memref<4000xi32, #tpu.memory_space<hbm>>) target(%arg11 : memref<4000xi32, #tpu.memory_space<vmem>>) target_semaphore(%dma_start3A_138 : memref<!tpu.dma_semaphore, #tpu.memory_space<semaphore_mem>>)
        %dma_start3A_140 = arith.constant 1 : i32
        %dma_start3A_141 = tpu.memref_slice %arg5[%mul3A_134] : memref<320000xi32, #tpu.memory_space<hbm>> -> memref<4000xi32, #tpu.memory_space<hbm>>
        %dma_start3A_142 = tpu.memref_slice %arg17[%dma_start3A_140] : memref<2x!tpu.dma_semaphore, #tpu.memory_space<semaphore_mem>> -> memref<1x!tpu.dma_semaphore, #tpu.memory_space<semaphore_mem>>
        %dma_start3A_143 = tpu.memref_squeeze %dma_start3A_142 : memref<1x!tpu.dma_semaphore, #tpu.memory_space<semaphore_mem>> -> memref<!tpu.dma_semaphore, #tpu.memory_space<semaphore_mem>>
        %dma_start3A_144 = tpu.memref_slice %arg5[%mul3A_134] : memref<320000xi32, #tpu.memory_space<hbm>> -> memref<4000xi32, #tpu.memory_space<hbm>>
        tpu.enqueue_dma source(%dma_start3A_144 : memref<4000xi32, #tpu.memory_space<hbm>>) target(%arg13 : memref<4000xi32, #tpu.memory_space<vmem>>) target_semaphore(%dma_start3A_143 : memref<!tpu.dma_semaphore, #tpu.memory_space<semaphore_mem>>)
        %dma_start3A_145 = arith.constant 1 : i32
        %dma_start3A_146 = tpu.memref_slice %arg6[%mul3A_134] : memref<320000xf32, #tpu.memory_space<hbm>> -> memref<4000xf32, #tpu.memory_space<hbm>>
        %dma_start3A_147 = tpu.memref_slice %arg17[%dma_start3A_145] : memref<2x!tpu.dma_semaphore, #tpu.memory_space<semaphore_mem>> -> memref<1x!tpu.dma_semaphore, #tpu.memory_space<semaphore_mem>>
        %dma_start3A_148 = tpu.memref_squeeze %dma_start3A_147 : memref<1x!tpu.dma_semaphore, #tpu.memory_space<semaphore_mem>> -> memref<!tpu.dma_semaphore, #tpu.memory_space<semaphore_mem>>
        %dma_start3A_149 = tpu.memref_slice %arg6[%mul3A_134] : memref<320000xf32, #tpu.memory_space<hbm>> -> memref<4000xf32, #tpu.memory_space<hbm>>
        tpu.enqueue_dma source(%dma_start3A_149 : memref<4000xf32, #tpu.memory_space<hbm>>) target(%arg15 : memref<4000xf32, #tpu.memory_space<vmem>>) target_semaphore(%dma_start3A_148 : memref<!tpu.dma_semaphore, #tpu.memory_space<semaphore_mem>>)
      } else {
      }
    }
    %scan3A_61 = arith.constant 40 : i32
    %mul3A_62 = arith.constant 40000 : i32
    %mul3A_63 = arith.muli %add3A, %mul3A_62 : i32
    "tpu.region"() ({
      %run_scoped3A = tpu.sem_alloc : memref<!tpu.dma_semaphore, #tpu.memory_space<semaphore_mem>>
      %dma_start3A_64 = tpu.memref_slice %arg7[%mul3A_63] : memref<1280000xf32, #tpu.memory_space<hbm>> -> memref<40000xf32, #tpu.memory_space<hbm>>
      %dma_start3A_65 = tpu.memref_slice %arg7[%mul3A_63] : memref<1280000xf32, #tpu.memory_space<hbm>> -> memref<40000xf32, #tpu.memory_space<hbm>>
      tpu.enqueue_dma source(%arg9 : memref<40000xf32, #tpu.memory_space<vmem>>) target(%dma_start3A_65 : memref<40000xf32, #tpu.memory_space<hbm>>) target_semaphore(%run_scoped3A : memref<!tpu.dma_semaphore, #tpu.memory_space<semaphore_mem>>)
      %dma_wait3A = tpu.memref_slice %arg7[%mul3A_63] : memref<1280000xf32, #tpu.memory_space<hbm>> -> memref<40000xf32, #tpu.memory_space<hbm>>
      %dma_wait3A_66 = tpu.memref_slice %arg7[%mul3A_63] : memref<1280000xf32, #tpu.memory_space<hbm>> -> memref<40000xf32, #tpu.memory_space<hbm>>
      tpu.wait_dma2 semaphore(%run_scoped3A : memref<!tpu.dma_semaphore, #tpu.memory_space<semaphore_mem>>) src(%arg9 : memref<40000xf32, #tpu.memory_space<vmem>>) dst(%dma_wait3A_66 : memref<40000xf32, #tpu.memory_space<hbm>>)
      tpu.yield
    }) : () -> ()
    return
  }
}

module attributes {stable_mosaic.version = 14 : i64} {
  func.func @_mlp_body(%arg0: i32, %arg1: memref<128x10000xf32, #tpu.memory_space<vmem>>, %arg2: memref<128x128xf32, #tpu.memory_space<vmem>>, %arg3: memref<1x128xf32, #tpu.memory_space<vmem>>, %arg4: memref<128x128xf32, #tpu.memory_space<vmem>>, %arg5: memref<1x128xf32, #tpu.memory_space<vmem>>, %arg6: memref<10000x128xf32, #tpu.memory_space<vmem>>) attributes {dimension_semantics = [#tpu.dimension_semantics<arbitrary>], iteration_bounds = array<i64: 1>, scalar_prefetch = 0 : i64, scratch_operands = 0 : i64, tpu.core_type = #tpu.core_type<tc>, window_params = [{transform_indices = @transform_0, window_bounds = array<i64: 128, 10000>}, {pipeline_mode = #tpu.pipeline_mode<synchronous>, transform_indices = @transform_1, window_bounds = array<i64: 128, 128>}, {pipeline_mode = #tpu.pipeline_mode<synchronous>, transform_indices = @transform_2, window_bounds = array<i64: 1, 128>}, {pipeline_mode = #tpu.pipeline_mode<synchronous>, transform_indices = @transform_3, window_bounds = array<i64: 128, 128>}, {pipeline_mode = #tpu.pipeline_mode<synchronous>, transform_indices = @transform_4, window_bounds = array<i64: 1, 128>}, {transform_indices = @transform_5, window_bounds = array<i64: 10000, 128>}]} {
    %get3A = arith.constant 0 : index
    %get3A_0 = arith.constant 0 : index
    %get3A_1 = vector.load %arg1[%get3A, %get3A_0] : memref<128x10000xf32, #tpu.memory_space<vmem>>, vector<128x10000xf32>
    %get3A_2 = arith.constant 0 : index
    %get3A_3 = arith.constant 0 : index
    %get3A_4 = vector.load %arg2[%get3A_2, %get3A_3] : memref<128x128xf32, #tpu.memory_space<vmem>>, vector<128x128xf32>
    %dot_general3A = arith.constant dense<0.000000e+00> : vector<10000x128xf32>
    %dot_general3A_5 = tpu.matmul %get3A_1, %get3A_4, %dot_general3A {dimension_numbers = #tpu.dot_dimension_numbers<[0], [0], [1], [1], [0, 1, 1, 1], [], []>, transpose_lhs_hint = false} : vector<128x10000xf32>, vector<128x128xf32>, vector<10000x128xf32> -> vector<10000x128xf32>
    %get3A_6 = arith.constant 0 : index
    %get3A_7 = arith.constant 0 : index
    %get3A_8 = vector.load %arg3[%get3A_6, %get3A_7] : memref<1x128xf32, #tpu.memory_space<vmem>>, vector<1x128xf32>
    %add3A = vector.broadcast %get3A_8 : vector<1x128xf32> to vector<10000x128xf32>
    %add3A_9 = arith.addf %dot_general3A_5, %add3A : vector<10000x128xf32>
    %max3A = arith.constant 0.000000e+00 : f32
    %max3A_10 = vector.broadcast %max3A : f32 to vector<10000x128xf32>
    %max3A_11 = arith.maximumf %add3A_9, %max3A_10 : vector<10000x128xf32>
    %abs3A = math.absf %add3A_9 : vector<10000x128xf32>
    %neg3A = arith.constant 0.000000e+00 : f32
    %neg3A_12 = vector.broadcast %neg3A : f32 to vector<10000x128xf32>
    %neg3A_13 = arith.subf %neg3A_12, %abs3A : vector<10000x128xf32>
    %exp3A = math.exp %neg3A_13 : vector<10000x128xf32>
    %add3A_14 = arith.constant 1.000000e+00 : f32
    %add3A_15 = vector.broadcast %add3A_14 : f32 to vector<10000x128xf32>
    %add3A_16 = arith.addf %add3A_15, %exp3A : vector<10000x128xf32>
    %log3A = math.log %add3A_16 : vector<10000x128xf32>
    %add3A_17 = arith.addf %max3A_11, %log3A : vector<10000x128xf32>
    %sub3A = arith.constant 0.693147182 : f32
    %sub3A_18 = vector.broadcast %sub3A : f32 to vector<10000x128xf32>
    %sub3A_19 = arith.subf %add3A_17, %sub3A_18 : vector<10000x128xf32>
    %get3A_20 = arith.constant 0 : index
    %get3A_21 = arith.constant 0 : index
    %get3A_22 = vector.load %arg4[%get3A_20, %get3A_21] : memref<128x128xf32, #tpu.memory_space<vmem>>, vector<128x128xf32>
    %dot_general3A_23 = arith.constant dense<0.000000e+00> : vector<10000x128xf32>
    %dot_general3A_24 = tpu.matmul %sub3A_19, %get3A_22, %dot_general3A_23 {dimension_numbers = #tpu.dot_dimension_numbers<[1], [0], [0], [1], [0, 0, 1, 1], [], []>, transpose_lhs_hint = false} : vector<10000x128xf32>, vector<128x128xf32>, vector<10000x128xf32> -> vector<10000x128xf32>
    %get3A_25 = arith.constant 0 : index
    %get3A_26 = arith.constant 0 : index
    %get3A_27 = vector.load %arg5[%get3A_25, %get3A_26] : memref<1x128xf32, #tpu.memory_space<vmem>>, vector<1x128xf32>
    %add3A_28 = vector.broadcast %get3A_27 : vector<1x128xf32> to vector<10000x128xf32>
    %add3A_29 = arith.addf %dot_general3A_24, %add3A_28 : vector<10000x128xf32>
    %swap3A = arith.constant 0 : index
    %swap3A_30 = arith.constant 0 : index
    %swap3A_31 = vector.load %arg6[%swap3A, %swap3A_30] : memref<10000x128xf32, #tpu.memory_space<vmem>>, vector<10000x128xf32>
    tpu.vector_store %arg6[%swap3A, %swap3A_30], %add3A_29 {strides = array<i32>} : memref<10000x128xf32, #tpu.memory_space<vmem>>, vector<10000x128xf32>,
    return
  }
  func.func @transform_0(%arg0: i32) -> (i32, i32) {
    %c0_i32 = arith.constant 0 : i32
    %c0_i32_0 = arith.constant 0 : i32
    return %c0_i32, %arg0 : i32, i32
  }
  func.func @transform_1(%arg0: i32) -> (i32, i32) {
    %c0_i32 = arith.constant 0 : i32
    %c0_i32_0 = arith.constant 0 : i32
    %c0_i32_1 = arith.constant 0 : i32
    return %c0_i32, %c0_i32_0 : i32, i32
  }
  func.func @transform_2(%arg0: i32) -> (i32, i32) {
    %c0_i32 = arith.constant 0 : i32
    %c0_i32_0 = arith.constant 0 : i32
    %c0_i32_1 = arith.constant 0 : i32
    return %c0_i32, %c0_i32_0 : i32, i32
  }
  func.func @transform_3(%arg0: i32) -> (i32, i32) {
    %c0_i32 = arith.constant 0 : i32
    %c0_i32_0 = arith.constant 0 : i32
    %c0_i32_1 = arith.constant 0 : i32
    return %c0_i32, %c0_i32_0 : i32, i32
  }
  func.func @transform_4(%arg0: i32) -> (i32, i32) {
    %c0_i32 = arith.constant 0 : i32
    %c0_i32_0 = arith.constant 0 : i32
    %c0_i32_1 = arith.constant 0 : i32
    return %c0_i32, %c0_i32_0 : i32, i32
  }
  func.func @transform_5(%arg0: i32) -> (i32, i32) {
    %c0_i32 = arith.constant 0 : i32
    %c0_i32_0 = arith.constant 0 : i32
    return %arg0, %c0_i32 : i32, i32
  }
}

</mosaic_0001>

<sc_bundles>
// kernel: kernel.4.cloned.1.call-start
scs
__scs_entry_jumppad:
0x0: {  	(pc) =	sbr.rel $0x88, $3  }
0x1: {  	(tag) =	ssettag $0x0;
	lr =	simm.s32 $0x1  }
0x2: {  	[smem:$0x3F9A] =	sst lr;
	_ =	strace $0xD0000000  }
0x3: {  	_ = 	snop  }
0x4: {  	_ = 	snop  }
0x5: {  	_ = 	snop  }
0x6: {  	_ = 	snop  }
0x7: {  	_ = 	snop  }
__scs_overlays_trampoline_lowered:
0x8: {  	[smem:$0x3FA9] =	sst s0  }
0x9: {  	[smem:$0x3FAA] =	sst s1  }
0xa: {  	[smem:$0x3FAB] =	sst s2  }
0xb: {  	[smem:$0x3FAC] =	sst s3  }
0xc: {  	[smem:$0x3FAD] =	sst s4  }
0xd: {  	[smem:$0x3FAE] =	sst s5  }
0xe: {  	[smem:$0x3FAF] =	sst s6  }
0xf: {  	[smem:$0x3FB0] =	sst s7  }
0x10: {  	[smem:$0x3FB1] =	sst s8  }
0x11: {  	[smem:$0x3FB2] =	sst s9;
	s0 =	simm.s32 @!p0 $0x0  }
0x12: {  	s1 =	sld [smem:$0x3F98];
	s0 =	simm.s32 @p0 $0x1  }
0x13: {  	[smem:$0x3FB3] =	sst s0;
	s0 =	simm.s32 @!p1 $0x0  }
0x14: {  	s2 =	sld [smem:$0x3F97];
	s0 =	simm.s32 @p1 $0x1  }
0x15: {  	[smem:$0x3FB4] =	sst s0;
	s0 =	simm.s32 @!p2 $0x0  }
0x16: {  	s3 =	sld [smem:$0x3FDB];
	s0 =	simm.s32 @p2 $0x1  }
0x17: {  	s4 =	simm.s32 $0x1BF5;
	[smem:$0x3FB6] =	sst s0  }
0x18: {  	s0 =	sld [smem:$0x3F99];
	_ =	swait.ge [sflag:s4], $0x0  }
0x19: {  	s7 =	sld [smem:$0x3F9A]  }
0x1a: {  	s8 =	sadd.s32 $0xFFFFE003, lr  }
0x1b: {  	s9 =	sadd.s32 $0xFFFFFEF7, lr;
	s5 =	simm.s32 $0xFFFFFFFF;
	p2 =	slt.u32 s8, $0xFFFFF086  }
0x1c: {  	p1 =	slt.u32 s9, $0xF7A;
	s5 =	simm.s32 @!p2 $0x0  }
0x1d: {  	s5 =	simm.s32 @p1 $0x1;
	p0 =	seq.s32 s7, s2  }
0x1e: {  	s7 =	smul.u32 @!p0 $0xF7A, s2;
	p2 =	seq.s32 @!p0 s5, $0x0  }
0x1f: {  	s9 =	smul.u32 $0xF7A, s1;
	s8 =	simm.s32 @!p0 $0x1BF5;
	p2 =	por !p2, p0  }
0x20: {  	[sflag:s8] =	ssyncset.s32 @!p0 $0xFFFFF086;
	s6 =	sadd.s32 @!p0 s3, s7;
	s7 =	simm.s32 @!p0 $0x108  }
0x21: {  	s3 =	sadd.s32 s3, s9;
	s6 =	sadd.s32 @!p0 $0x88, s6;
	s7 =	simm.s32 @p2 $0x1082  }
0x22: {  	[simem:s7], [sflag:s8] =	dma.local @!p0 [hbm:s6], $0xF7A  }
0x23: {  	s9 =	sor.u32 $0xD0000000, s2;
	s6 =	simm.s32 $0x108;
	_ =	swait.ge @!p0 [sflag:s8], $0x0  }
0x24: {  	s3 =	sadd.s32 $0x88, s3;
	s6 =	simm.s32 @!p1 $0x1082;
	[sflag:s4] =	ssyncset.s32 $0xFFFFF086  }
0x25: {  	[simem:s6], [sflag:s4] =	dma.local [hbm:s3], $0xF7A  }
0x26: {  	[smem:$0x3F9A] =	sst s1;
	(tag) =	ssettag s2;
	_ =	strace s9  }
0x27: {  	s1 =	sld [smem:$0x3FAA]  }
0x28: {  	s2 =	sld [smem:$0x3FAB]  }
0x29: {  	s4 =	sld [smem:$0x3FAD]  }
0x2a: {  	p0 =	seq.s32 s5, $0x0;
	s5 =	sld [smem:$0x3FAE]  }
0x2b: {  	s6 =	sld [smem:$0x3FAF]  }
0x2c: {  	s7 =	sld [smem:$0x3FB0]  }
0x2d: {  	s3 =	simm.s32 $0x108;
	s8 =	sld [smem:$0x3FB1]  }
0x2e: {  	s3 =	simm.s32 @!p0 $0x1082;
	s9 =	sld [smem:$0x3FB2]  }
0x2f: {  	lr =	sadd.s32 s0, s3;
	s0 =	sld [smem:$0x3FA9]  }
0x30: {  	s3 =	sld [smem:$0x3FAC]  }
0x31: {  	[smem:$0x3FB5] =	sst s10  }
0x32: {  	s10 =	sld [smem:$0x3FB3];
	_ =	sdelay $0x3  }
0x33: {  	p0 =	seq.s32 s10, $0x1;
	s10 =	sld [smem:$0x3FB5];
	_ =	sdelay $0x3  }
0x34: {  	[smem:$0x3FB5] =	sst s10  }
0x35: {  	s10 =	sld [smem:$0x3FB4];
	_ =	sdelay $0x3  }
0x36: {  	p1 =	seq.s32 s10, $0x1;
	s10 =	sld [smem:$0x3FB5];
	_ =	sdelay $0x3  }
0x37: {  	[smem:$0x3FB5] =	sst s10  }
0x38: {  	s10 =	sld [smem:$0x3FB6]  }
0x39: {  	_ = 	snop;
	(pc) =	sbr.ind lr, $3  }
0x3a: {  	_ = 	snop  }
0x3b: {  	_ = 	snop  }
0x3c: {  	p2 =	seq.s32 s10, $0x1;
	s10 =	sld [smem:$0x3FB5]  }
0x3d: {  	_ =	shalt  }
0x3e: {  	_ =	shalt  }
0x3f: {  	_ =	shalt  }
0x40: {  	_ =	shalt  }
0x41: {  	_ =	shalt  }
0x42: {  	_ =	shalt  }
0x43: {  	_ =	shalt  }
0x44: {  	_ =	shalt  }
0x45: {  	_ =	shalt  }
0x46: {  	_ =	shalt  }
0x47: {  	_ =	shalt  }
0x48: {  	_ =	shalt  }
0x49: {  	_ =	shalt  }
0x4a: {  	_ =	shalt  }
0x4b: {  	_ =	shalt  }
0x4c: {  	_ =	shalt  }
0x4d: {  	_ =	shalt  }
0x4e: {  	_ =	shalt  }
0x4f: {  	_ =	shalt  }
0x50: {  	_ =	shalt  }
0x51: {  	_ =	shalt  }
0x52: {  	_ =	shalt  }
0x53: {  	_ =	shalt  }
0x54: {  	_ =	shalt  }
0x55: {  	_ =	shalt  }
0x56: {  	_ =	shalt  }
0x57: {  	_ =	shalt  }
0x58: {  	_ =	shalt  }
0x59: {  	_ =	shalt  }
0x5a: {  	_ =	shalt  }
0x5b: {  	_ =	shalt  }
0x5c: {  	_ =	shalt  }
0x5d: {  	_ =	shalt  }
0x5e: {  	_ =	shalt  }
0x5f: {  	_ =	shalt  }
0x60: {  	_ =	shalt  }
0x61: {  	_ =	shalt  }
0x62: {  	_ =	shalt  }
0x63: {  	_ =	shalt  }
0x64: {  	_ =	shalt  }
0x65: {  	_ =	shalt  }
0x66: {  	_ =	shalt  }
0x67: {  	_ =	shalt  }
0x68: {  	_ =	shalt  }
0x69: {  	_ =	shalt  }
0x6a: {  	_ =	shalt  }
0x6b: {  	_ =	shalt  }
0x6c: {  	_ =	shalt  }
0x6d: {  	_ =	shalt  }
0x6e: {  	_ =	shalt  }
0x6f: {  	_ =	shalt  }
0x70: {  	_ =	shalt  }
0x71: {  	_ =	shalt  }
0x72: {  	_ =	shalt  }
0x73: {  	_ =	shalt  }
0x74: {  	_ =	shalt  }
0x75: {  	_ =	shalt  }
0x76: {  	_ =	shalt  }
0x77: {  	_ =	shalt  }
0x78: {  	_ =	shalt  }
0x79: {  	_ =	shalt  }
0x7a: {  	_ =	shalt  }
0x7b: {  	_ =	shalt  }
0x7c: {  	_ =	shalt  }
0x7d: {  	_ =	shalt  }
0x7e: {  	_ =	shalt  }
0x7f: {  	_ =	shalt  }
0x80: {  	_ =	shalt  }
0x81: {  	_ =	shalt  }
0x82: {  	_ =	shalt  }
0x83: {  	_ =	shalt  }
0x84: {  	_ =	shalt  }
0x85: {  	_ =	shalt  }
0x86: {  	_ =	shalt  }
0x87: {  	_ =	shalt  }
.Lfunc_end0:
.L_simem_size_0:
called_computation_lowered:
.L_overlay_start_0:
0x88: {  	s2 =	sld [smem:$0x3FD9]  }
0x89: {  	s3 =	sld [smem:$0x3FFE];
	_ =	sdelay $0x1  }
0x8a: {  	s1 =	srdreg.scid  }
0x8b: {  	s0 =	sand.u32 $0x1, s1  }
0x8c: {  	s17 =	sshll.u32 s0, $0xA;
	s2 =	sadd.s32 s3, s2  }
0x8d: {  	s2 =	sadd.s32 s2, s17  }
0x8e: {  	[smem:$0x3FC1] =	sst s2  }
0x8f: {  	_ = 	snop  }
0x90: {  	s2 =	sld [smem:$0x3FC7]  }
0x91: {  	s18 =	sld [smem:$0x3FD0];
	(tm) =	ssettm $0x1  }
0x92: {  	s4 =	sld [smem:$0x3FFB];
	_ =	sdelay $0x3  }
0x93: {  	_ =	strace s4  }
0x94: {  	s4 =	sld [smem:$0x3FFC];
	_ =	sdelay $0x3  }
0x95: {  	_ =	strace s4  }
0x96: {  	s4 =	sld [smem:$0x3FFD];
	_ =	sdelay $0x3  }
0x97: {  	_ =	strace s4  }
0x98: {  	_ =	strace $0x8FFFFFFF  }
0x99: {  	s19 =	sld [smem:$0x3FDB];
	_ =	sdelay $0x1  }
0x9a: {  	s5 =	simm.s32 $_scs_section_size  }
0x9b: {  	s6 =	simm.s32 $_size__tile_overlayer_lowered;
	s7 =	simm.s32 $_tile_overlayer_lowered  }
0x9c: {  	s22 =	simm.s32 $0x1BFF;
	s21 =	sshll.u32 s7, $0x1;
	s4 =	sadd.s32 s5, s19  }
0x9d: {  	s8 =	simm.s32 $0x0;
	s20 =	sshll.u32 s6, $0x1;
	s6 =	sadd.s32 s21, s4  }
0x9e: {  	[timem:s8], [sflag:s22] =	dma.local [hbm:s6], s20  }
0x9f: {  	_ =	swait.ge [sflag:s22], s20  }
0xa0: {  	s5 =	ssub.s32 $0x0, s20;
	[sflag:s22] =	ssyncset.done $0x0  }
0xa1: {  	[sflag:s22] =	ssyncadd.s32 s5;
	_ =	sdelay $0x1  }
0xa2: {  	s23 =	simm.s32 $0x1B8B  }
0xa3: {  	_ =	swait.ge [sflag:s23], $0x1  }
0xa4: {  	[sflag:s23] =	ssyncset.done $0x0  }
0xa5: {  	s25 =	simm.s32 $0x1B8E;
	s24 =	sld [smem:$0x3FFE];
	[sflag:s23] =	ssyncadd.s32 $0xFFFFFFFF  }
0xa6: {  	s26 =	simm.s32 $execute0_lowered;
	[smem:$0x3FD2] =	sst s25  }
0xa7: {  	s6 =	sshll.u32 s26, $0x1;
	_ =	strace $0x80000046;
	[dreg:$0x1] =	wrdreg $0xFFFFFFFF  }
0xa8: {  	s28 =	simm.s32 $_size_execute0_lowered;
	s4 =	sadd.s32 s4, s6;
	[dreg:$0x0] =	wrdreg $0x0  }
0xa9: {  	s6 =	sshll.u32 s28, $0x1;
	[dreg:$0x2] =	wrdreg s4  }
0xaa: {  	[dreg:$0x3] =	wrdreg s6  }
0xab: {  	[dreg:$0x4] =	wrdreg $0xC0  }
0xac: {  	_ =	task [dreg:s8], $0x5FFFF  }
0xad: {  	[dreg:$0x1] =	wrdreg $0xFFFFFFFF  }
0xae: {  	[dreg:$0x0] =	wrdreg $0x60  }
0xaf: {  	[dreg:$0x2] =	wrdreg s24  }
0xb0: {  	[dreg:$0x3] =	wrdreg s18  }
0xb1: {  	[dreg:$0x4] =	wrdreg s2  }
0xb2: {  	[dreg:$0x5] =	wrdreg $0x9  }
0xb3: {  	_ =	task.clear_ibuf [dreg:s8], $0x6FFFF;
	_ =	strace $0x90000046  }
0xb4: {  	s29 =	simm.s32 $0x9;
	_ =	strace $0x80000048  }
0xb5: {  	_ =	swait.ge [sflag:s29], $0x1  }
0xb6: {  	[sflag:s29] =	ssyncadd.s32 $0xFFFFFFFF  }
0xb7: {  	_ =	strace $0x90000048  }
0xb8: {  	_ =	sfence  }
0xb9: {  	s30 =	sld [smem:$0x0];
	_ =	sdelay $0x2  }
0xba: {  	s31 =	sshll.u32 s1, $0xD;
	s1 =	sshrl.u32 s1, $0x2  }
0xbb: {  	s3 =	sand.u32 $0x4000, s31;
	s1 =	sadd.s32 s1, s30  }
0xbc: {  	s0 =	sor.u32 s3, s0;
	s1 =	sshll.u32 s1, $0x11  }
0xbd: {  	s0 =	sor.u32 s1, s0  }
0xbe: {  	s0 =	sadd.s32 $0x8F2B, s0  }
0xbf: {  	[sflag:s0] =	ssyncadd.remote.s32 $0x1  }
0xc0: {  	_ =	sfence.sel $0xFFFF  }
0xc1: {  	[dreg:$0x0] =	wrdreg $0xFFFFFFFF;
	(pc) =	sbr.abs _section_cstart, $3  }
0xc2: {  	[dreg:$0x1] =	wrdreg $0xFFFFFFFF  }
0xc3: {  	_ =	task.clear_ibuf [dreg:s8], $0x2FFFF;
	_ =	strace $0x9FFFFFFF  }
0xc4: {  	(tm) =	ssettm $0x7FFFFFFF  }
0xc5: {  	_ =	shalt  }
tec
execute0_lowered:
.L_overlay_start_1:
0x0: {  	(tag) =	ssettag $0x1  }
0x1: {  	s0 =	rddreg [dreg:$0x0]  }
0x2: {  	s1 =	rddreg [dreg:$0x1]  }
0x3: {  	s2 =	rddreg [dreg:$0x2]  }
0x4: {  	s4 =	srdreg.scid;
	s5 =	stileid.u32  }
0x5: {  	s3 =	simm.s32 $0x0;
	s13 =	simm.s32 $0x19900;
	s14 =	simm.s32 $0x3  }
0x6: {  	s15 =	simm.s32 $0x13900;
	s16 =	simm.s32 $0x15900;
	s17 =	simm.s32 $0x17900  }
0x7: {  	s18 =	simm.s32 $0x14900;
	s19 =	simm.s32 $0x16900;
	s20 =	simm.s32 $0x18900  }
0x8: {  	s21 =	simm.s32 $0x1;
	s22 =	simm.s32 $0x9C80;
	s23 =	simm.s32 $0x2  }
0x9: {  	s24 =	simm.s32 $0x0;
	s25 =	simm.s32 $0x0;
	s4 =	sand.u32 $0x1, s4  }
0xa: {  	s5 =	sshll.u32 s5, $0x1;
	[smem:$0x7FF] =	sst s3;
	s10 =	sadd.s32 $0x1F4, s2  }
0xb: {  	s5 =	sor.u32 s4, s5;
	_ =	strace $0x80000047;
	s8 =	ssub.s32 $0x2, s4  }
.Ltmp0:
0xc: {  	s4 =	sadd.s32 $0xA600, s0;
	s6 =	sshll.u32 s5, $0x1;
	(pc) =	sbr.rel .LBB2_1-.Ltmp0, $4  }
0xd: {  	s7 =	smul.u32 $0x1388, s5;
	s5 =	sadd.s32 $0x800, s0;
	s9 =	sshrl.u32 s8, $0x1  }
0xe: {  	s6 =	sadd.s32 s6, s0;
	s12 =	ssub.s32 s8, s9;
	s8 =	sadd.s32 $0xA7F4, s0  }
0xf: {  	s9 =	sadd.s32 $0x9F4, s0;
	s11 =	sadd.s32 s7, s0;
	s6 =	sadd.s32 $0x14400, s6  }
0x10: {  	v0 =	vimm.f32 $0.0e+00;
	s7 =	sadd.s32 s1, s7;
	s12 =	smax.u32 s12, $0x1;
	s11 =	sadd.s32 $0x14600, s11  }
.LBB2_16:
0x11: {  	s24 =	sadd.s32 $0x1, s24  }
0x12: {  	p0 =	sne.s32 s24, s12  }
.Ltmp1:
0x13: {  	_ = 	snop;
	(pc) =	sbr.rel @!p0 .LBB2_17-.Ltmp1, $4  }
0x14: {  	[hbm4b:s11+s3] =	stream.linear.scatter [tilespmem:s22], [sflag:$0x3], $0x9C40, $0x38;
	[tilespmem:$0x19980] =	vst v63  }
0x15: {  	_ =	swait.ge [sflag:s14], $0x9C40  }
0x16: {  	[sflag:s14] =	ssyncset.done $0x0  }
0x17: {  	[sflag:s14] =	ssyncadd.s32 $0xFFFF63C0  }
.LBB2_1:
0x18: {  	[tilespmem:s13], [sflag:$0x3] =	stream.linear.gather [hbm4b:s6+s3], $0x10, $0x38;
	[tilespmem:$0x19980] =	vst v63  }
0x19: {  	_ =	swait.ge [sflag:s14], $0x10  }
0x1a: {  	[sflag:s14] =	ssyncset.done $0x0  }
0x1b: {  	[sflag:s14] =	ssyncadd.s32 $0xFFFFFFF0  }
0x1c: {  	[tilespmem:s3], [sflag:$0x3] =	stream.linear.gather [hbm4b:s7+s3], $0x9C40, $0x38;
	[tilespmem:$0x19980] =	vst v63  }
0x1d: {  	_ =	swait.ge [sflag:s14], $0x9C40  }
0x1e: {  	[sflag:s14] =	ssyncset.done $0x0  }
0x1f: {  	s0 =	simm.s32 $0x9CC0;
	[sflag:s14] =	ssyncadd.s32 $0xFFFF63C0  }
0x20: {  	[tilespmem:s0+$0xFFFFFFC0] =	vst v0  }
0x21: {  	[tilespmem:s0+$0x30] =	vst v0  }
0x22: {  	[tilespmem:s0+$0x20] =	vst v0  }
0x23: {  	[tilespmem:s0+$0x10] =	vst v0  }
0x24: {  	[tilespmem:s0+$0x0] =	vst v0  }
0x25: {  	[tilespmem:s0+$0xFFFFFFF0] =	vst v0  }
0x26: {  	s1 =	simm.s32 $0x0;
	[tilespmem:s0+$0xFFFFFFE0] =	vst v0  }
.LBB2_2:
0x27: {  	s1 =	sadd.s32 $0x8, s1;
	[tilespmem:s0+$0xFFFFFFD0] =	vst v0;
	s0 =	sadd.s32 $0x80, s0  }
0x28: {  	[tilespmem:s0+$0xFFFFFFC0] =	vst v0;
	p0 =	slt.u32 s1, $0x9B8  }
0x29: {  	[tilespmem:s0+$0x30] =	vst v0  }
.Ltmp2:
0x2a: {  	[tilespmem:s0+$0x20] =	vst v0;
	(pc) =	sbr.rel @p0 .LBB2_2-.Ltmp2, $4  }
0x2b: {  	[tilespmem:s0+$0x10] =	vst v0  }
0x2c: {  	[tilespmem:s0+$0x0] =	vst v0  }
0x2d: {  	[tilespmem:s0+$0xFFFFFFF0] =	vst v0  }
0x2e: {  	[tilespmem:s0+$0xFFFFFFE0] =	vst v0  }
0x2f: {  	[tilespmem:s0+$0xFFFFFFD0] =	vst v0;
	s0 =	simm.s32 $0x0  }
.LBB2_4:
0x30: {  	p0 =	sne.s32 s0, $0xC0  }
.Ltmp3:
0x31: {  	_ = 	snop;
	(pc) =	sbr.rel @p0 .LBB2_4-.Ltmp3, $3  }
0x32: {  	_ =	sdelay $0x1  }
0x33: {  	s1 =	sshra.s32 s0, $0x2  }
0x34: {  	s0 =	sadd.s32 $0x40, s0;
	[tilespmem:s1+$0x13880] =	vst v0  }
0x35: {  	v4 =	vld [tilespmem:$0x19900];
	[tilespmem:s15], [sflag:$0x1] =	stream.linear.gather [hbm4b:s4+s25], $0xFA0, $0x38  }
0x36: {  	_ = 	snop  }
0x37: {  	[tilespmem:s16], [sflag:$0x1] =	stream.linear.gather [hbm4b:s5+s25], $0xFA0, $0x38;
	[tilespmem:$0x19980] =	vst v63  }
0x38: {  	_ = 	snop  }
0x39: {  	[tilespmem:s17], [sflag:$0x1] =	stream.linear.gather [hbm4b:s2+s25], $0xFA0, $0x38;
	[tilespmem:$0x19980] =	vst v63  }
0x3a: {  	_ = 	snop  }
0x3b: {  	[tilespmem:s18], [sflag:$0x2] =	stream.linear.gather [hbm4b:s8+s25], $0xFA0, $0x38;
	[tilespmem:$0x19980] =	vst v63  }
0x3c: {  	_ = 	snop  }
0x3d: {  	[tilespmem:s19], [sflag:$0x2] =	stream.linear.gather [hbm4b:s9+s25], $0xFA0, $0x38;
	[tilespmem:$0x19980] =	vst v63  }
0x3e: {  	s26 =	simm.s32 $0x0;
	v1 =	vbroadcast v4, $0x0;
	v2 =	vbroadcast v4, $0x1  }
0x3f: {  	v3 =	vbroadcast v4, $0x2;
	v4 =	vbroadcast v4, $0x3;
	[tilespmem:s20], [sflag:$0x2] =	stream.linear.gather [hbm4b:s10+s25], $0xFA0, $0x38;
	[tilespmem:$0x19980] =	vst v63  }
.LBB2_6:
0x40: {  	_ =	swait.ge [sflag:s21], $0xFA0  }
0x41: {  	[sflag:s21] =	ssyncset.done $0x0  }
0x42: {  	[sflag:s21] =	ssyncadd.s32 $0xFFFFF060  }
0x43: {  	_ =	swait.ge [sflag:s21], $0xFA0  }
0x44: {  	[sflag:s21] =	ssyncset.done $0x0  }
0x45: {  	[sflag:s21] =	ssyncadd.s32 $0xFFFFF060  }
0x46: {  	_ =	swait.ge [sflag:s21], $0xFA0  }
0x47: {  	[sflag:s21] =	ssyncset.done $0x0  }
0x48: {  	s0 =	simm.s32 $0x17920;
	[sflag:s21] =	ssyncadd.s32 $0xFFFFF060  }
0x49: {  	v5 =	vld [tilespmem:s0+$0xFFFFFFE0]  }
0x4a: {  	v8 =	vld [tilespmem:s0+$0x10]  }
0x4b: {  	v7 =	vld [tilespmem:s0+$0x0];
	_ =	sdelay $0x3  }
0x4c: {  	v6 =	vadd.f32 $-8.000000110e-01, v5  }
0x4d: {  	v9 =	vld [tilespmem:s0+$0xFFFFFFF0];
	v10 =	vmul.f32 $2.015748020e+00, v5;
	v13 =	vadd.f32 $-8.000000110e-01, v8;
	v14 =	vadd.f32 $-8.000000110e-01, v7  }
0x4e: {  	v5 =	vsub.f32 v5, v1;
	v16 =	vsub.f32 v7, v1;
	v6 =	vmul.f32 $5.000000000e+00, v6  }
0x4f: {  	v17 =	vsub.f32 v8, v1;
	v8 =	vmul.f32 $2.015748020e+00, v8;
	v10 =	vmul.f32 $1.442695020e+00, v10  }
0x50: {  	v14 =	vmul.f32 $5.000000000e+00, v14;
	v5 =	vmul.f32 v5, v5;
	v6 =	vmax.f32 v6, $0.0e+00  }
0x51: {  	v16 =	vmul.f32 v16, v16;
	v8 =	vmul.f32 $1.442695020e+00, v8;
	v11 =	vmin.f32 v6, $1.000000000e+00  }
0x52: {  	v5 =	vmul.f32 $-1.280000000e+02, v5;
	v6 =	vsub.f32 v9, v1;
	v12 =	vmul.f32 $1.158923270e+00, v11  }
0x53: {  	v14 =	vmax.f32 v14, $0.0e+00;
	(erf) = vpow2.f32 v10;
	v10 =	vmul.f32 $-1.280000000e+02, v16  }
0x54: {  	v18 =	vmin.f32 v14, $1.000000000e+00;
	v15 =	vmul.f32 v6, v6;
	v6 =	vsub.f32 $2.897308110e+00, v12  }
0x55: {  	v14 =	vmul.f32 $1.158923270e+00, v18;
	v5 =	vmul.f32 $1.442695020e+00, v5  }
0x56: {  	v10 =	vmul.f32 $1.442695020e+00, v10;
	v6 =	vmul.f32 v6, v11  }
0x57: {  	v12 =	vmul.f32 $5.000000000e+00, v13;
	v13 =	vadd.f32 $-8.000000110e-01, v9;
	v19 =	vsub.f32 $2.897308110e+00, v14  }
0x58: {  	s1 =	simm.s32 $0x13920;
	(erf) = vpow2.f32 v5;
	v9 =	vmul.f32 $2.015748020e+00, v9;
	v6 =	vadd.f32 $-3.264710610e-01, v6  }
0x59: {  	v14 =	vld [tilespmem:s1+$0xFFFFFFE0];
	(erf) = vpow2.f32 v10;
	v13 =	vmul.f32 $5.000000000e+00, v13  }
0x5a: {  	v12 =	vmax.f32 v12, $0.0e+00;
	v16 =	vmul.f32 v19, v18;
	v6 =	vmul.f32 v6, v11  }
0x5b: {  	v5 =	vmax.f32 v13, $0.0e+00;
	v13 =	vmul.f32 v17, v17;
	v17 =	vmul.f32 $2.015748020e+00, v7  }
0x5c: {  	v9 =	vmul.f32 $1.442695020e+00, v9;
	v19 =	vmin.f32 v12, $1.000000000e+00;
	v6 =	vadd.f32 $-2.407601590e+00, v6  }
0x5d: {  	v7 =	vld [tilespmem:s1+$0x10];
	v25 =	vmin.f32 v5, $1.000000000e+00;
	v5 =	vmul.f32 $1.158923270e+00, v19;
	v17 =	vmul.f32 $1.442695020e+00, v17  }
0x5e: {  	s0 =	simm.s32 $0x15920;
	v53 =	vadd.s32 $0x4E20, v14;
	v20 =	vmul.f32 $-1.280000000e+02, v13;
	v12 =	vmul.f32 v6, v11  }
0x5f: {  	v21 =	vpop (erf);
	v13 =	vmul.f32 $1.158923270e+00, v25;
	v5 =	vsub.f32 $2.897308110e+00, v5;
	(erf) = vpow2.f32 v17;
	v17 =	vld [tilespmem:s0+$0x0]  }
0x60: {  	v27 =	vmul.f32 v21, v2;
	v28 =	vmul.f32 v21, v3;
	v6 =	vld [tilespmem:s1+$0xFFFFFFF0];
	v10 =	vadd.f32 $-4.472879690e-03, v12  }
0x61: {  	v21 =	vmul.f32 v21, v4;
	v5 =	vmul.f32 v5, v19;
	v12 =	vadd.f32 $-3.264710610e-01, v16;
	v16 =	vld [tilespmem:s1+$0x0];
	s1 =	simm.s32 $0x17960  }
0x62: {  	v22 =	vpop (erf);
	v26 =	vadd.s32 $0x2710, v7;
	(erf) = vpow2.f32 v8;
	v32 =	vld [tilespmem:s1+$0xFFFFFFF0];
	v10 =	vmul.f32 v10, v11  }
0x63: {  	v5 =	vadd.f32 $-3.264710610e-01, v5;
	v11 =	vmul.f32 v12, v18;
	v12 =	vsub.f32 $2.897308110e+00, v13;
	v13 =	vld.idx.msk [tilespmem:v14+s25+$0x0], $0xffff  }
0x64: {  	v36 =	vld [tilespmem:s0+$0xFFFFFFE0];
	v8 =	vmul.f32 $1.442695020e+00, v20;
	v30 =	vpop (erf);
	(erf) = vpow2.f32 v9;
	v10 =	vadd.f32 $1.000080350e+00, v10  }
0x65: {  	v5 =	vmul.f32 v5, v19;
	v11 =	vadd.f32 $-2.407601590e+00, v11;
	v12 =	vmul.f32 v12, v25  }
0x66: {  	v34 =	vadd.s32 $0x2710, v17;
	v24 =	vadd.s32 $0x2710, v6;
	v10 =	vmul.f32 v10, v22  }
0x67: {  	v37 =	vadd.s32 $0x4E20, v16;
	v11 =	vmul.f32 v11, v18;
	v12 =	vadd.f32 $-3.264710610e-01, v12  }
0x68: {  	v42 =	vadd.s32 $0x7530, v16;
	v61 =	vadd.f32 $-8.000000110e-01, v32;
	v23 =	vmul.f32 v10, v13  }
0x69: {  	v40 =	vld [tilespmem:s1+$0x0];
	v11 =	vadd.f32 $-4.472879690e-03, v11;
	v12 =	vmul.f32 v12, v25;
	v13 =	vmul.f32 $-1.280000000e+02, v15  }
0x6a: {  	v15 =	vadd.f32 $-2.407601590e+00, v5;
	v5 =	vld [tilespmem:s0+$0xFFFFFFF0];
	v29 =	vmul.f32 v10, v27;
	v46 =	vmul.f32 $5.000000000e+00, v61  }
0x6b: {  	v38 =	vld [tilespmem:s1+$0x10];
	v22 =	vadd.s32 $0x2710, v16;
	v11 =	vmul.f32 v11, v18;
	v12 =	vadd.f32 $-2.407601590e+00, v12  }
0x6c: {  	v33 =	vmul.f32 $1.442695020e+00, v13;
	v28 =	vmul.f32 v29, v28;
	[tilespmem:v36+s22+$0x0] =	vst.idx.add.f32.msk $0xffff, v23;
	v23 =	vmax.f32 v46, $0.0e+00  }
0x6d: {  	v18 =	vld.idx.msk [tilespmem:v16+s25+$0x0], $0xffff;
	v10 =	vadd.f32 $1.000080350e+00, v11;
	v11 =	vmul.f32 v15, v19;
	v15 =	vadd.s32 $0x2710, v14  }
0x6e: {  	v27 =	vmul.f32 v12, v25;
	v31 =	vmul.f32 v28, v21;
	v21 =	vadd.f32 $-8.000000110e-01, v40  }
0x6f: {  	v12 =	vadd.s32 $0x2710, v5;
	v10 =	vmul.f32 v10, v30;
	v30 =	vpop (erf);
	(erf) = vpow2.f32 v8  }
0x70: {  	v35 =	vld [tilespmem:s1+$0xFFFFFFE0];
	v21 =	vmul.f32 $5.000000000e+00, v21;
	v27 =	vadd.f32 $-4.472879690e-03, v27;
	v13 =	vmul.f32 v30, v2  }
0x71: {  	v11 =	vadd.f32 $-4.472879690e-03, v11;
	v41 =	vmul.f32 v30, v4;
	(erf) = vpow2.f32 v33  }
0x72: {  	v8 =	vadd.f32 $-8.000000110e-01, v38;
	v18 =	vmul.f32 v10, v18;
	v25 =	vmul.f32 v27, v25  }
0x73: {  	v21 =	vmax.f32 v21, $0.0e+00;
	v39 =	vmul.f32 v10, v13;
	v10 =	vmul.f32 v11, v19  }
0x74: {  	v11 =	vmul.f32 v30, v3;
	v30 =	vsub.f32 v38, v1;
	v15 =	vld.idx.msk [tilespmem:v15+s25+$0x0], $0xffff;
	v51 =	vmin.f32 v21, $1.000000000e+00  }
0x75: {  	v38 =	vmul.f32 $2.015748020e+00, v38;
	[tilespmem:v17+s22+$0x0] =	vst.idx.add.f32.msk $0xffff, v18;
	v18 =	vmul.f32 $2.015748020e+00, v35;
	v16 =	vadd.f32 $1.000080350e+00, v10  }
0x76: {  	v21 =	vmul.f32 $1.158923270e+00, v51;
	v10 =	vadd.f32 $-8.000000110e-01, v35;
	v20 =	vld.idx.msk [tilespmem:v22+s25+$0x0], $0xffff;
	v22 =	vsub.f32 v32, v1  }
0x77: {  	v30 =	vmul.f32 v30, v30;
	v60 =	vmul.f32 $1.442695020e+00, v18;
	v18 =	vsub.f32 v35, v1  }
0x78: {  	v13 =	vadd.s32 $0x4E20, v6;
	v10 =	vmul.f32 $5.000000000e+00, v10;
	v43 =	vmul.f32 v22, v22  }
0x79: {  	s1 =	simm.s32 $0x13960;
	v52 =	vsub.f32 $2.897308110e+00, v21;
	v22 =	vmul.f32 $5.000000000e+00, v8;
	v8 =	vpop (erf);
	v44 =	vmul.f32 v18, v18  }
0x7a: {  	v9 =	vld [tilespmem:s1+$0xFFFFFFF0];
	v19 =	vadd.s32 $0x2710, v36;
	v59 =	vmul.f32 v8, v2;
	v54 =	vmul.f32 v29, v15  }
0x7b: {  	v18 =	vsub.f32 v40, v1;
	v29 =	vmul.f32 $-1.280000000e+02, v30;
	v61 =	vmul.f32 v52, v51  }
0x7c: {  	v40 =	vmul.f32 $2.015748020e+00, v40;
	v45 =	vmax.f32 v10, $0.0e+00;
	v20 =	vmul.f32 v39, v20  }
0x7d: {  	v39 =	vmul.f32 v39, v11;
	v45 =	vmin.f32 v45, $1.000000000e+00;
	v47 =	vmul.f32 v18, v18  }
0x7e: {  	v49 =	vld.idx.msk [tilespmem:v7+s25+$0x0], $0xffff;
	v50 =	vmax.f32 v22, $0.0e+00;
	v22 =	vmul.f32 $-1.280000000e+02, v44;
	v48 =	vmul.f32 $1.158923270e+00, v45  }
0x7f: {  	v15 =	vld [tilespmem:s1+$0xFFFFFFE0];
	v11 =	vadd.s32 $0x2710, v9;
	v10 =	vpop (erf);
	(erf) = vpow2.f32 v60;
	v60 =	vmul.f32 v8, v3  }
0x80: {  	v35 =	vmul.f32 v10, v2;
	v62 =	vpop (erf);
	v63 =	vmul.f32 $1.442695020e+00, v22;
	v22 =	vld [tilespmem:s0+$0x10];
	v48 =	vsub.f32 $2.897308110e+00, v48  }
0x81: {  	v46 =	vadd.f32 $-3.264710610e-01, v61;
	[tilespmem:v34+s22+$0x0] =	vst.idx.add.f32.msk $0xffff, v20;
	v47 =	vmul.f32 $-1.280000000e+02, v47;
	v44 =	vmul.f32 v16, v62  }
0x82: {  	v16 =	vmin.f32 v23, $1.000000000e+00;
	v23 =	vmin.f32 v50, $1.000000000e+00;
	v37 =	vld.idx.msk [tilespmem:v37+s25+$0x0], $0xffff;
	v48 =	vmul.f32 v48, v45  }
0x83: {  	[tilespmem:v19+s22+$0x0] =	vst.idx.add.f32.msk $0xffff, v54;
	v18 =	vmul.f32 v10, v3;
	v62 =	vadd.s32 $0x4E20, v17;
	v21 =	vmul.f32 $1.158923270e+00, v23  }
0x84: {  	(erf) = vpow2.f32 v63;
	v47 =	vmul.f32 $1.442695020e+00, v47;
	v63 =	vld.idx.msk [tilespmem:v53+s25+$0x0], $0xffff;
	v20 =	vadd.f32 $-3.264710610e-01, v48  }
0x85: {  	v50 =	vadd.s32 $0x7530, v36;
	v34 =	vmul.f32 v44, v49;
	v44 =	vmul.f32 v44, v59  }
0x86: {  	s28 =	simm.s32 $0x15960;
	v59 =	vmul.f32 $1.158923270e+00, v16;
	v49 =	vsub.f32 $2.897308110e+00, v21;
	v21 =	vld [tilespmem:s1+$0x0];
	v55 =	vmul.f32 v20, v45  }
0x87: {  	(erf) = vpow2.f32 v47;
	v47 =	vadd.s32 $0x7530, v14;
	v14 =	vld [tilespmem:s28+$0x0];
	v57 =	vmul.f32 v39, v37  }
0x88: {  	v36 =	vadd.s32 $0x4E20, v36;
	v53 =	vadd.s32 $0x7530, v17;
	v20 =	vld [tilespmem:s1+$0x10];
	v30 =	vadd.f32 $-2.407601590e+00, v55  }
0x89: {  	v19 =	vmul.f32 v44, v60;
	v60 =	vsub.f32 $2.897308110e+00, v59;
	[tilespmem:v62+s22+$0x0] =	vst.idx.add.f32.msk $0xffff, v57;
	v57 =	vmul.f32 v28, v63  }
0x8a: {  	v56 =	vadd.s32 $0x2710, v22;
	[tilespmem:v22+s22+$0x0] =	vst.idx.add.f32.msk $0xffff, v34;
	v28 =	vmul.f32 v46, v51;
	v30 =	vmul.f32 v30, v45  }
0x8b: {  	v59 =	vadd.f32 $1.000080350e+00, v25;
	v39 =	vmul.f32 v39, v41;
	v46 =	vld.idx.msk [tilespmem:v15+s25+$0x0], $0xffff;
	v34 =	vmul.f32 v60, v16  }
0x8c: {  	v55 =	vmul.f32 v49, v23;
	v61 =	vld.idx.msk [tilespmem:v42+s25+$0x0], $0xffff;
	v27 =	vadd.f32 $-2.407601590e+00, v28;
	v58 =	vadd.f32 $-4.472879690e-03, v30  }
0x8d: {  	v63 =	vld.idx.msk [tilespmem:v6+s25+$0x0], $0xffff;
	v42 =	vmul.f32 $1.442695020e+00, v38;
	v25 =	vadd.s32 $0x4E20, v21;
	v34 =	vadd.f32 $-3.264710610e-01, v34  }
0x8e: {  	v41 =	vld.idx.msk [tilespmem:v26+s25+$0x0], $0xffff;
	v37 =	vadd.f32 $-3.264710610e-01, v55;
	v60 =	vmul.f32 v27, v51;
	v26 =	vmul.f32 v58, v45  }
0x8f: {  	v28 =	vld [tilespmem:s28+$0xFFFFFFF0];
	v17 =	vadd.s32 $0x2710, v20;
	v34 =	vmul.f32 v34, v16;
	v45 =	vpop (erf);
	v58 =	vmul.f32 $1.442695020e+00, v40  }
0x90: {  	[tilespmem:v36+s22+$0x0] =	vst.idx.add.f32.msk $0xffff, v57;
	v37 =	vmul.f32 v37, v23;
	v33 =	vpop (erf);
	v57 =	vmul.f32 v59, v45;
	v26 =	vadd.f32 $1.000080350e+00, v26  }
0x91: {  	v27 =	vadd.s32 $0x2710, v14;
	v61 =	vmul.f32 v39, v61;
	v45 =	vld.idx.msk [tilespmem:v47+s25+$0x0], $0xffff;
	v62 =	vpop (erf);
	(erf) = vpow2.f32 v58  }
0x92: {  	v54 =	vmul.f32 v26, v62;
	v62 =	vmul.f32 v57, v63;
	v63 =	vadd.f32 $-4.472879690e-03, v60  }
0x93: {  	v30 =	vadd.s32 $0x2710, v21;
	v41 =	vmul.f32 v44, v41;
	v44 =	vld.idx.msk [tilespmem:v21+s25+$0x0], $0xffff;
	v40 =	vmul.f32 $2.015748020e+00, v32  }
0x94: {  	[tilespmem:v53+s22+$0x0] =	vst.idx.add.f32.msk $0xffff, v61;
	v59 =	vmul.f32 $-1.280000000e+02, v43;
	v43 =	vadd.s32 $0x2710, v28;
	v61 =	vmul.f32 v63, v51  }
0x95: {  	[tilespmem:v56+s22+$0x0] =	vst.idx.add.f32.msk $0xffff, v41;
	v58 =	vadd.f32 $-2.407601590e+00, v37;
	v36 =	vmul.f32 v54, v46;
	v46 =	vadd.s32 $0x4E20, v7  }
0x96: {  	v60 =	vmul.f32 v33, v2;
	[tilespmem:v5+s22+$0x0] =	vst.idx.add.f32.msk $0xffff, v62;
	v31 =	vmul.f32 v31, v45;
	v39 =	vadd.f32 $1.000080350e+00, v61  }
0x97: {  	v38 =	vmul.f32 v33, v3;
	v41 =	vmul.f32 v57, v35;
	v48 =	vld.idx.msk [tilespmem:v24+s25+$0x0], $0xffff;
	v24 =	vadd.f32 $-2.407601590e+00, v34  }
0x98: {  	v37 =	vadd.s32 $0x4E20, v9;
	v32 =	vmul.f32 v54, v60;
	v62 =	vmul.f32 v58, v23;
	[tilespmem:v50+s22+$0x0] =	vst.idx.add.f32.msk $0xffff, v31  }
0x99: {  	s31 =	simm.s32 $0x4;
	s30 =	simm.s32 $0x0;
	v26 =	vadd.s32 $0x2710, v15;
	v45 =	vmul.f32 $1.442695020e+00, v59;
	v63 =	vpop (erf);
	v34 =	vmul.f32 v24, v16;
	v24 =	vld [tilespmem:s28+$0xFFFFFFE0]  }
0x9a: {  	s29 =	simm.s32 $0x0;
	s0 =	simm.s32 $0x179A0;
	s1 =	simm.s32 $0x139A0;
	v31 =	vadd.s32 $0x7530, v22;
	v49 =	vadd.f32 $-4.472879690e-03, v62;
	v47 =	vld.idx.msk [tilespmem:v46+s25+$0x0], $0xffff;
	v46 =	vmul.f32 v39, v63;
	v39 =	vpop (erf)  }
.LBB2_7:
0x9b: {  	s31 =	sadd.s32 $0x4, s31;
	v38 =	vmul.f32 v32, v38;
	v50 =	vmul.f32 $1.442695020e+00, v40;
	v22 =	vadd.s32 $0x4E20, v22  }
0x9c: {  	v35 =	vmul.f32 v39, v2;
	v52 =	vadd.s32 $0x7530, v6;
	v6 =	vmovc v9;
	v51 =	vld [tilespmem:s0+$0xFFFFFFE0];
	p0 =	slt.u32 s31, $0xF4;
	v48 =	vmul.f32 v41, v48  }
0x9d: {  	v9 =	vmul.f32 v33, v4;
	v54 =	vadd.s32 $0x7530, v5;
	v53 =	vmul.f32 v46, v44;
	v40 =	vld [tilespmem:s0+$0x10]  }
0x9e: {  	v23 =	vmul.f32 v49, v23;
	v55 =	vmul.f32 v46, v35;
	[tilespmem:v12+s22+$0x0] =	vst.idx.add.f32.msk $0xffff, v48;
	v48 =	vadd.s32 $0x4E20, v5  }
0x9f: {  	v29 =	vmul.f32 $1.442695020e+00, v29;
	v44 =	vmul.f32 v39, v4;
	v5 =	vmovc v28;
	v12 =	vmovc v43;
	v46 =	vadd.s32 $0x2710, v24;
	v49 =	vld.idx.msk [tilespmem:v13+s30+$0x0], $0xffff  }
0xa0: {  	v33 =	vadd.s32 $0x7530, v21;
	v35 =	vmul.f32 v38, v9;
	v13 =	vmovc v37;
	v28 =	vld [tilespmem:s0+$0x0];
	(erf) = vpow2.f32 v42  }
0xa1: {  	v21 =	vmul.f32 v19, v47;
	v42 =	vadd.s32 $0x7530, v7;
	v7 =	vmovc v20;
	v37 =	vld [tilespmem:s0+$0xFFFFFFF0];
	(erf) = vpow2.f32 v50  }
0xa2: {  	v10 =	vmul.f32 v10, v4;
	v20 =	vadd.f32 $1.000080350e+00, v23;
	v9 =	vld [tilespmem:s1+$0xFFFFFFF0];
	(erf) = vpow2.f32 v29  }
0xa3: {  	v18 =	vmul.f32 v41, v18;
	v23 =	vadd.f32 $-8.000000110e-01, v40;
	v29 =	vmul.f32 v39, v3;
	[tilespmem:v14+s22+$0x0] =	vst.idx.add.f32.msk $0xffff, v53  }
0xa4: {  	v41 =	vmul.f32 $2.015748020e+00, v51;
	v39 =	vadd.f32 $-8.000000110e-01, v51;
	v30 =	vld.idx.msk [tilespmem:v30+s29+$0x0], $0xffff;
	(erf) = vpow2.f32 v45  }
0xa5: {  	v50 =	vmul.f32 v18, v10;
	v47 =	vsub.f32 v40, v1;
	v45 =	vadd.f32 $-8.000000110e-01, v28;
	[tilespmem:v22+s22+$0x0] =	vst.idx.add.f32.msk $0xffff, v21  }
0xa6: {  	v53 =	vmul.f32 $1.442695020e+00, v41;
	v18 =	vmul.f32 v18, v49;
	v10 =	vsub.f32 v37, v1;
	v21 =	vld.idx.msk [tilespmem:v42+s30+$0x0], $0xffff  }
0xa7: {  	v41 =	vmul.f32 $5.000000000e+00, v39;
	v22 =	vsub.f32 v51, v1;
	v42 =	vmul.f32 v8, v4  }
0xa8: {  	v23 =	vmul.f32 $5.000000000e+00, v23;
	v39 =	vadd.s32 $0x2710, v9;
	v43 =	vmul.f32 v10, v10;
	[tilespmem:v48+s22+$0x0] =	vst.idx.add.f32.msk $0xffff, v18  }
0xa9: {  	v48 =	vmul.f32 v22, v22;
	v18 =	vadd.f32 $-8.000000110e-01, v37;
	v19 =	vmul.f32 v19, v42;
	v8 =	vpop (erf);
	v49 =	vld.idx.msk [tilespmem:v52+s30+$0x0], $0xffff;
	s30 =	smov.u32 s29  }
0xaa: {  	v42 =	vmul.f32 $5.000000000e+00, v45;
	v45 =	vsub.f32 v28, v1;
	v30 =	vmul.f32 v55, v30;
	v22 =	vld [tilespmem:s28+$0x10];
	v10 =	vpop (erf)  }
0xab: {  	v41 =	vmax.f32 v41, $0.0e+00;
	v52 =	vmul.f32 v55, v29;
	v51 =	vmul.f32 $5.000000000e+00, v18;
	v29 =	vld.idx.msk [tilespmem:v7+s30+$0x0], $0xffff;
	v55 =	vpop (erf)  }
0xac: {  	v56 =	vmin.f32 v41, $1.000000000e+00;
	v57 =	vmul.f32 v45, v45;
	v41 =	vmul.f32 v10, v2;
	[tilespmem:v24+s22+$0x0] =	vst.idx.add.f32.msk $0xffff, v36  }
0xad: {  	v23 =	vmax.f32 v23, $0.0e+00;
	v18 =	vmul.f32 v10, v3;
	v36 =	vmul.f32 $1.158923270e+00, v56;
	[tilespmem:v27+s22+$0x0] =	vst.idx.add.f32.msk $0xffff, v30;
	v58 =	vpop (erf)  }
0xae: {  	v19 =	vmul.f32 v19, v21;
	v27 =	vmul.f32 $-1.280000000e+02, v48;
	v30 =	vmax.f32 v42, $0.0e+00;
	v26 =	vld.idx.msk [tilespmem:v26+s30+$0x0], $0xffff  }
0xaf: {  	v21 =	vsub.f32 $2.897308110e+00, v36;
	v36 =	vmax.f32 v51, $0.0e+00;
	v42 =	vmul.f32 v50, v49;
	v25 =	vld.idx.msk [tilespmem:v25+s30+$0x0], $0xffff  }
0xb0: {  	v45 =	vmin.f32 v30, $1.000000000e+00;
	v30 =	vmul.f32 v20, v55;
	v27 =	vmul.f32 $1.442695020e+00, v27;
	[tilespmem:v31+s22+$0x0] =	vst.idx.add.f32.msk $0xffff, v19  }
0xb1: {  	v23 =	vmin.f32 v23, $1.000000000e+00;
	v36 =	vmin.f32 v36, $1.000000000e+00;
	v19 =	vmul.f32 $1.158923270e+00, v45;
	[tilespmem:v54+s22+$0x0] =	vst.idx.add.f32.msk $0xffff, v42  }
0xb2: {  	v20 =	vmul.f32 v21, v56;
	v31 =	vadd.s32 $0x7530, v24;
	v42 =	vmul.f32 v47, v47  }
0xb3: {  	v48 =	vadd.s32 $0x4E20, v15;
	v47 =	vmul.f32 $1.158923270e+00, v23;
	v19 =	vsub.f32 $2.897308110e+00, v19  }
0xb4: {  	v50 =	vmul.f32 v30, v29;
	v29 =	vmul.f32 v8, v2;
	v49 =	vadd.f32 $-3.264710610e-01, v20;
	v21 =	vld [tilespmem:s1+$0x0]  }
0xb5: {  	v51 =	vmul.f32 $-1.280000000e+02, v57;
	v47 =	vsub.f32 $2.897308110e+00, v47;
	v26 =	vmul.f32 v32, v26;
	v20 =	vld [tilespmem:s1+$0x10]  }
0xb6: {  	s28 =	sadd.s32 $0x40, s28;
	v55 =	vadd.s32 $0x2710, v22;
	v54 =	vmul.f32 v30, v29;
	v49 =	vmul.f32 v49, v56;
	v32 =	vld [tilespmem:s1+$0xFFFFFFE0]  }
0xb7: {  	v24 =	vadd.s32 $0x4E20, v24;
	v29 =	vmul.f32 $-1.280000000e+02, v42;
	(erf) = vpow2.f32 v53;
	[tilespmem:v46+s22+$0x0] =	vst.idx.add.f32.msk $0xffff, v26  }
0xb8: {  	v30 =	vmul.f32 v8, v3;
	v26 =	vadd.f32 $-2.407601590e+00, v49;
	(erf) = vpow2.f32 v27;
	v27 =	vld.idx.msk [tilespmem:v48+s30+$0x0], $0xffff  }
0xb9: {  	v42 =	vmul.f32 v19, v45;
	v46 =	vmul.f32 $1.442695020e+00, v51;
	v48 =	vadd.s32 $0x4E20, v14  }
0xba: {  	v19 =	vmul.f32 v54, v30;
	v49 =	vadd.s32 $0x7530, v14;
	v26 =	vmul.f32 v26, v56  }
0xbb: {  	v25 =	vmul.f32 v52, v25;
	(erf) = vpow2.f32 v46;
	v46 =	vadd.s32 $0x7530, v15;
	[tilespmem:v22+s22+$0x0] =	vst.idx.add.f32.msk $0xffff, v50;
	v15 =	vmovc v32  }
0xbc: {  	v30 =	vadd.s32 $0x2710, v21;
	v26 =	vadd.f32 $-4.472879690e-03, v26;
	v32 =	vmul.f32 $1.158923270e+00, v36;
	v14 =	vld [tilespmem:s28+$0x0]  }
0xbd: {  	v44 =	vmul.f32 v52, v44;
	v42 =	vadd.f32 $-3.264710610e-01, v42;
	v50 =	vld.idx.msk [tilespmem:v17+s30+$0x0], $0xffff;
	v17 =	vadd.s32 $0x2710, v20  }
0xbe: {  	v47 =	vmul.f32 v47, v23;
	v26 =	vmul.f32 v26, v56;
	v32 =	vsub.f32 $2.897308110e+00, v32;
	[tilespmem:v48+s22+$0x0] =	vst.idx.add.f32.msk $0xffff, v25  }
0xbf: {  	v34 =	vadd.f32 $-4.472879690e-03, v34;
	s29 =	simm.s32 $0x0;
	v52 =	vmul.f32 $2.015748020e+00, v40;
	v27 =	vmul.f32 v38, v27;
	v38 =	vld.idx.msk [tilespmem:v33+s30+$0x0], $0xffff  }
0xc0: {  	v51 =	vmul.f32 $2.015748020e+00, v28;
	v48 =	vmul.f32 v42, v45;
	v26 =	vadd.f32 $1.000080350e+00, v26;
	v40 =	vld.idx.msk [tilespmem:v15+s29+$0x0], $0xffff;
	v33 =	vpop (erf)  }
0xc1: {  	v34 =	vmul.f32 v34, v16;
	v47 =	vadd.f32 $-3.264710610e-01, v47;
	v42 =	vmul.f32 $1.442695020e+00, v52;
	v25 =	vpop (erf);
	v52 =	vld.idx.msk [tilespmem:v6+s30+$0x0], $0xffff  }
0xc2: {  	v16 =	vmovc v36;
	v32 =	vmul.f32 v32, v36;
	v53 =	vmul.f32 v26, v25;
	v28 =	vld [tilespmem:s28+$0xFFFFFFF0];
	v25 =	vadd.f32 $-2.407601590e+00, v48  }
0xc3: {  	v36 =	vmul.f32 $1.442695020e+00, v51;
	v26 =	vadd.s32 $0x2710, v15;
	[tilespmem:v24+s22+$0x0] =	vst.idx.add.f32.msk $0xffff, v27;
	v24 =	vadd.f32 $1.000080350e+00, v34  }
0xc4: {  	v50 =	vmul.f32 v54, v50;
	v27 =	vadd.s32 $0x2710, v14;
	v34 =	vmul.f32 v25, v45;
	v51 =	vpop (erf);
	v46 =	vld.idx.msk [tilespmem:v46+s30+$0x0], $0xffff  }
0xc5: {  	v25 =	vadd.s32 $0x4E20, v21;
	(erf) = vpow2.f32 v36;
	v54 =	vmul.f32 v24, v58  }
0xc6: {  	v38 =	vmul.f32 v44, v38;
	v24 =	vadd.f32 $-3.264710610e-01, v32;
	v32 =	vmul.f32 v47, v23  }
0xc7: {  	v36 =	vmul.f32 v53, v40;
	v44 =	vld.idx.msk [tilespmem:v21+s29+$0x0], $0xffff;
	v47 =	vmul.f32 v54, v52;
	v52 =	vadd.s32 $0x4E20, v7  }
0xc8: {  	v34 =	vadd.f32 $-4.472879690e-03, v34;
	v24 =	vmul.f32 v24, v16;
	v56 =	vadd.f32 $-2.407601590e+00, v32;
	[tilespmem:v49+s22+$0x0] =	vst.idx.add.f32.msk $0xffff, v38  }
0xc9: {  	v40 =	vmul.f32 $2.015748020e+00, v37;
	v49 =	vmul.f32 $-1.280000000e+02, v43;
	v43 =	vadd.s32 $0x2710, v28;
	[tilespmem:v5+s22+$0x0] =	vst.idx.add.f32.msk $0xffff, v47  }
.Ltmp4:
0xca: {  	v37 =	vadd.s32 $0x4E20, v9;
	v32 =	vmul.f32 v33, v2;
	v34 =	vmul.f32 v34, v45;
	v48 =	vld.idx.msk [tilespmem:v11+s30+$0x0], $0xffff;
	v11 =	vmovc v39;
	(pc) =	sbr.rel @p0 .LBB2_7-.Ltmp4, $4  }
0xcb: {  	v38 =	vmul.f32 v33, v3;
	v24 =	vadd.f32 $-2.407601590e+00, v24;
	v35 =	vmul.f32 v35, v46;
	[tilespmem:v55+s22+$0x0] =	vst.idx.add.f32.msk $0xffff, v50  }
0xcc: {  	v32 =	vmul.f32 v53, v32;
	v53 =	vadd.f32 $1.000080350e+00, v34;
	v50 =	vmul.f32 v56, v23;
	v47 =	vld.idx.msk [tilespmem:v52+s30+$0x0], $0xffff  }
0xcd: {  	v45 =	vmul.f32 $1.442695020e+00, v49;
	v34 =	vmul.f32 v24, v16;
	[tilespmem:v31+s22+$0x0] =	vst.idx.add.f32.msk $0xffff, v35;
	v31 =	vadd.s32 $0x7530, v22  }
0xce: {  	s0 =	sadd.s32 $0x40, s0;
	s1 =	sadd.s32 $0x40, s1;
	v41 =	vmul.f32 v54, v41;
	v46 =	vmul.f32 v53, v51;
	v49 =	vadd.f32 $-4.472879690e-03, v50;
	v24 =	vld [tilespmem:s28+$0xFFFFFFE0];
	v39 =	vpop (erf)  }
0xcf: {  	v35 =	vmul.f32 $1.442695020e+00, v40  }
0xd0: {  	v29 =	vmul.f32 $1.442695020e+00, v29;
	(erf) = vpow2.f32 v42  }
0xd1: {  	v60 =	vmul.f32 v41, v48;
	(erf) = vpow2.f32 v35  }
0xd2: {  	v22 =	vadd.s32 $0x4E20, v22;
	v61 =	vmul.f32 v46, v44;
	(erf) = vpow2.f32 v29  }
0xd3: {  	[tilespmem:v12+s22+$0x0] =	vst.idx.add.f32.msk $0xffff, v60  }
0xd4: {  	[tilespmem:v14+s22+$0x0] =	vst.idx.add.f32.msk $0xffff, v61;
	(erf) = vpow2.f32 v45  }
0xd5: {  	v62 =	vmul.f32 v19, v47;
	v12 =	vld.idx.msk [tilespmem:v13+s30+$0x0], $0xffff  }
0xd6: {  	v29 =	vld.idx.msk [tilespmem:v30+s29+$0x0], $0xffff  }
0xd7: {  	v45 =	vadd.f32 $-4.472879690e-03, v34;
	[tilespmem:v22+s22+$0x0] =	vst.idx.add.f32.msk $0xffff, v62  }
0xd8: {  	v7 =	vadd.s32 $0x7530, v7;
	v44 =	vmul.f32 v49, v23;
	v22 =	vld [tilespmem:s28+$0x10]  }
0xd9: {  	v63 =	vadd.s32 $0x4E20, v5;
	v52 =	vmul.f32 v39, v2;
	v47 =	vld.idx.msk [tilespmem:v20+s29+$0x0], $0xffff;
	v16 =	vmul.f32 v45, v16;
	v34 =	vpop (erf)  }
0xda: {  	v18 =	vmul.f32 v41, v18;
	v49 =	vld.idx.msk [tilespmem:v9+s29+$0x0], $0xffff;
	v13 =	vadd.f32 $1.000080350e+00, v44;
	v40 =	vpop (erf)  }
0xdb: {  	[tilespmem:v24+s22+$0x0] =	vst.idx.add.f32.msk $0xffff, v36;
	v51 =	vadd.f32 $1.000080350e+00, v16;
	v16 =	vmul.f32 v46, v52;
	v48 =	vpop (erf)  }
0xdc: {  	v55 =	vld.idx.msk [tilespmem:v26+s29+$0x0], $0xffff;
	v12 =	vmul.f32 v18, v12;
	v50 =	vmul.f32 v13, v48  }
0xdd: {  	v7 =	vld.idx.msk [tilespmem:v7+s30+$0x0], $0xffff;
	v29 =	vmul.f32 v16, v29;
	v53 =	vpop (erf)  }
0xde: {  	[tilespmem:v63+s22+$0x0] =	vst.idx.add.f32.msk $0xffff, v12;
	v13 =	vmul.f32 v51, v53;
	v54 =	vmul.f32 v50, v47  }
0xdf: {  	v57 =	vadd.s32 $0x2710, v24;
	[tilespmem:v27+s22+$0x0] =	vst.idx.add.f32.msk $0xffff, v29  }
0xe0: {  	v56 =	vmul.f32 v13, v49;
	[tilespmem:v22+s22+$0x0] =	vst.idx.add.f32.msk $0xffff, v54  }
0xe1: {  	v58 =	vadd.s32 $0x4E20, v15;
	v17 =	vld.idx.msk [tilespmem:v17+s29+$0x0], $0xffff  }
0xe2: {  	v6 =	vadd.s32 $0x7530, v6;
	v59 =	vmul.f32 v34, v2;
	v23 =	vmul.f32 v32, v55;
	[tilespmem:v28+s22+$0x0] =	vst.idx.add.f32.msk $0xffff, v56  }
0xe3: {  	v61 =	vadd.s32 $0x2710, v22;
	v11 =	vld.idx.msk [tilespmem:v11+s29+$0x0], $0xffff  }
0xe4: {  	v62 =	vadd.s32 $0x4E20, v20;
	v60 =	vmul.f32 v40, v2;
	[tilespmem:v57+s22+$0x0] =	vst.idx.add.f32.msk $0xffff, v23;
	v12 =	vmul.f32 v50, v59  }
0xe5: {  	v63 =	vmul.f32 v39, v3;
	v25 =	vld.idx.msk [tilespmem:v25+s29+$0x0], $0xffff  }
0xe6: {  	v23 =	vld.idx.msk [tilespmem:v58+s29+$0x0], $0xffff;
	v13 =	vmul.f32 v13, v60;
	v17 =	vmul.f32 v12, v17  }
0xe7: {  	v36 =	vadd.s32 $0x4E20, v14;
	v6 =	vld.idx.msk [tilespmem:v6+s30+$0x0], $0xffff  }
0xe8: {  	v44 =	vadd.s32 $0x4E20, v24;
	v16 =	vmul.f32 v16, v63;
	v11 =	vmul.f32 v13, v11;
	[tilespmem:v61+s22+$0x0] =	vst.idx.add.f32.msk $0xffff, v17  }
0xe9: {  	v21 =	vadd.s32 $0x7530, v21;
	v42 =	vmul.f32 v32, v38;
	v27 =	vld.idx.msk [tilespmem:v62+s29+$0x0], $0xffff  }
0xea: {  	v46 =	vadd.s32 $0x7530, v15;
	v45 =	vmul.f32 v34, v3;
	v25 =	vmul.f32 v16, v25;
	[tilespmem:v43+s22+$0x0] =	vst.idx.add.f32.msk $0xffff, v11  }
0xeb: {  	v48 =	vadd.s32 $0x4E20, v22;
	v23 =	vmul.f32 v42, v23;
	v49 =	vld.idx.msk [tilespmem:v37+s29+$0x0], $0xffff  }
0xec: {  	v47 =	vmul.f32 v40, v3;
	v50 =	vadd.s32 $0x7530, v20;
	[tilespmem:v36+s22+$0x0] =	vst.idx.add.f32.msk $0xffff, v25;
	v12 =	vmul.f32 v12, v45  }
0xed: {  	v8 =	vmul.f32 v8, v4;
	v10 =	vmul.f32 v10, v4;
	v51 =	vadd.s32 $0x4E20, v28;
	[tilespmem:v44+s22+$0x0] =	vst.idx.add.f32.msk $0xffff, v23  }
0xee: {  	v52 =	vadd.s32 $0x7530, v9;
	v21 =	vld.idx.msk [tilespmem:v21+s29+$0x0], $0xffff;
	v11 =	vmul.f32 v13, v47;
	v53 =	vmul.f32 v12, v27  }
0xef: {  	v8 =	vmul.f32 v19, v8;
	v15 =	vld.idx.msk [tilespmem:v46+s29+$0x0], $0xffff  }
0xf0: {  	v10 =	vmul.f32 v18, v10;
	v55 =	vmul.f32 v11, v49;
	[tilespmem:v48+s22+$0x0] =	vst.idx.add.f32.msk $0xffff, v53  }
0xf1: {  	v5 =	vadd.s32 $0x7530, v5;
	v7 =	vmul.f32 v8, v7;
	v56 =	vmul.f32 v39, v4;
	v57 =	vld.idx.msk [tilespmem:v50+s29+$0x0], $0xffff  }
0xf2: {  	v58 =	vadd.s32 $0x7530, v14;
	v60 =	vmul.f32 v34, v4;
	v54 =	vmul.f32 v33, v4;
	[tilespmem:v51+s22+$0x0] =	vst.idx.add.f32.msk $0xffff, v55  }
0xf3: {  	v59 =	vadd.s32 $0x7530, v24;
	v6 =	vmul.f32 v10, v6;
	v16 =	vmul.f32 v16, v56;
	v9 =	vld.idx.msk [tilespmem:v52+s29+$0x0], $0xffff  }
0xf4: {  	v61 =	vadd.s32 $0x7530, v22;
	v13 =	vmul.f32 v42, v54;
	v62 =	vmul.f32 v40, v4  }
0xf5: {  	[tilespmem:v31+s22+$0x0] =	vst.idx.add.f32.msk $0xffff, v7;
	v63 =	vadd.s32 $0x7530, v28;
	v7 =	vmul.f32 v16, v21;
	v12 =	vmul.f32 v12, v60  }
0xf6: {  	[tilespmem:v5+s22+$0x0] =	vst.idx.add.f32.msk $0xffff, v6;
	v5 =	vmul.f32 v13, v15;
	v6 =	vmul.f32 v11, v62  }
0xf7: {  	[tilespmem:v58+s22+$0x0] =	vst.idx.add.f32.msk $0xffff, v7;
	v7 =	vmul.f32 v12, v57  }
0xf8: {  	[tilespmem:v59+s22+$0x0] =	vst.idx.add.f32.msk $0xffff, v5;
	v5 =	vmul.f32 v6, v9  }
0xf9: {  	[tilespmem:v61+s22+$0x0] =	vst.idx.add.f32.msk $0xffff, v7  }
0xfa: {  	[tilespmem:v63+s22+$0x0] =	vst.idx.add.f32.msk $0xffff, v5  }
.LBB2_9:
0xfb: {  	s0 =	sshra.s32 s29, $0x2  }
0xfc: {  	v5 =	vld [tilespmem:s0+$0x18880];
	_ =	sdelay $0x4  }
0xfd: {  	v6 =	vadd.f32 $-8.000000110e-01, v5;
	_ =	sdelay $0x1  }
0xfe: {  	v6 =	vmul.f32 $5.000000000e+00, v6;
	_ =	sdelay $0x1  }
0xff: {  	v6 =	vmax.f32 v6, $0.0e+00  }
0x100: {  	v6 =	vmin.f32 v6, $1.000000000e+00  }
0x101: {  	v7 =	vmul.f32 $-1.158923270e+00, v6;
	_ =	sdelay $0x1  }
0x102: {  	v8 =	vsub.f32 v5, v1;
	v7 =	vadd.f32 $2.897308110e+00, v7;
	_ =	sdelay $0x1  }
0x103: {  	v8 =	vmul.f32 v8, v8;
	v7 =	vmul.f32 v7, v6;
	_ =	sdelay $0x1  }
0x104: {  	v8 =	vmul.f32 $-1.280000000e+02, v8;
	v7 =	vadd.f32 $-3.264710610e-01, v7;
	_ =	sdelay $0x1  }
0x105: {  	v8 =	vmul.f32 $1.442695020e+00, v8;
	v7 =	vmul.f32 v7, v6  }
0x106: {  	v9 =	vld [tilespmem:s0+$0x14880]  }
0x107: {  	(erf) = vpow2.f32 v8;
	v7 =	vadd.f32 $-2.407601590e+00, v7;
	_ =	sdelay $0x1  }
0x108: {  	v7 =	vmul.f32 v7, v6  }
0x109: {  	v5 =	vmul.f32 $2.015748020e+00, v5  }
0x10a: {  	v7 =	vadd.f32 $-4.472879690e-03, v7  }
0x10b: {  	v5 =	vmul.f32 $1.442695020e+00, v5  }
0x10c: {  	v60 =	vld [tilespmem:s0+$0x16880];
	v6 =	vmul.f32 v7, v6  }
0x10d: {  	(erf) = vpow2.f32 v5;
	v5 =	vld.idx.msk [tilespmem:v9+s3+$0x0], $0xffff  }
0x10e: {  	v6 =	vadd.f32 $1.000080350e+00, v6  }
0x10f: {  	v7 =	vpop (erf)  }
0x110: {  	v6 =	vmul.f32 v6, v7  }
0x111: {  	v7 =	vadd.s32 $0x2710, v9  }
0x112: {  	v5 =	vmul.f32 v6, v5;
	_ =	sdelay $0x2  }
0x113: {  	[tilespmem:v60+s22+$0x0] =	vst.idx.add.f32.msk $0xffff, v5  }
0x114: {  	v7 =	vld.idx.msk [tilespmem:v7+s3+$0x0], $0xffff;
	v5 =	vpop (erf)  }
0x115: {  	v10 =	vmul.f32 v5, v2  }
0x116: {  	v11 =	vadd.s32 $0x2710, v60  }
0x117: {  	v61 =	vadd.s32 $0x4E20, v9;
	v6 =	vmul.f32 v6, v10;
	_ =	sdelay $0x1  }
0x118: {  	v7 =	vmul.f32 v6, v7;
	_ =	sdelay $0x1  }
0x119: {  	[tilespmem:v11+s22+$0x0] =	vst.idx.add.f32.msk $0xffff, v7  }
0x11a: {  	v7 =	vld.idx.msk [tilespmem:v61+s3+$0x0], $0xffff  }
0x11b: {  	v62 =	vmul.f32 v5, v3  }
0x11c: {  	v63 =	vadd.s32 $0x4E20, v60  }
0x11d: {  	v9 =	vadd.s32 $0x7530, v9;
	v6 =	vmul.f32 v6, v62;
	_ =	sdelay $0x1  }
0x11e: {  	v7 =	vmul.f32 v6, v7;
	_ =	sdelay $0x1  }
0x11f: {  	[tilespmem:v63+s22+$0x0] =	vst.idx.add.f32.msk $0xffff, v7  }
0x120: {  	v7 =	vld.idx.msk [tilespmem:v9+s3+$0x0], $0xffff  }
0x121: {  	v5 =	vmul.f32 v5, v4  }
0x122: {  	p0 =	sne.s32 s29, $0x40;
	v8 =	vadd.s32 $0x7530, v60  }
.Ltmp5:
0x123: {  	v5 =	vmul.f32 v6, v5;
	(pc) =	sbr.rel @p0 .LBB2_9-.Ltmp5, $3  }
0x124: {  	_ = 	snop  }
0x125: {  	v5 =	vmul.f32 v5, v7;
	_ =	sdelay $0x1  }
0x126: {  	s29 =	sadd.s32 $0x40, s29;
	[tilespmem:v8+s22+$0x0] =	vst.idx.add.f32.msk $0xffff, v5  }
0x127: {  	p0 =	seq.s32 s26, $0x27  }
0x128: {  	s0 =	smul.u32 @!p0 $0x1F40, s26;
	_ =	sdelay $0x1  }
0x129: {  	s0 =	sshrl.u32 @!p0 s0, $0x3  }
0x12a: {  	s0 =	sadd.s32 @!p0 $0x3E8, s0  }
0x12b: {  	s28 =	simm.s32 @!p0 $0x0;
	s29 =	simm.s32 @!p0 $0x13900;
	s1 =	sadd.s32 @!p0 s4, s0  }
0x12c: {  	[tilespmem:s29], [sflag:$0x1] =	stream.linear.gather @!p0 [hbm4b:s1+s28], $0xFA0, $0x38;
	[tilespmem:$0x19980] =	vst v63  }
0x12d: {  	s1 =	sadd.s32 @!p0 s5, s0;
	s29 =	simm.s32 @!p0 $0x15900  }
0x12e: {  	[tilespmem:s29], [sflag:$0x1] =	stream.linear.gather @!p0 [hbm4b:s1+s28], $0xFA0, $0x38;
	[tilespmem:$0x19980] =	vst v63  }
0x12f: {  	s0 =	sadd.s32 @!p0 s2, s0;
	s1 =	simm.s32 @!p0 $0x17900  }
0x130: {  	[tilespmem:s1], [sflag:$0x1] =	stream.linear.gather @!p0 [hbm4b:s0+s28], $0xFA0, $0x38;
	[tilespmem:$0x19980] =	vst v63  }
0x131: {  	_ =	swait.ge [sflag:s23], $0xFA0  }
0x132: {  	[sflag:s23] =	ssyncset.done $0x0  }
0x133: {  	[sflag:s23] =	ssyncadd.s32 $0xFFFFF060  }
0x134: {  	_ =	swait.ge [sflag:s23], $0xFA0  }
0x135: {  	[sflag:s23] =	ssyncset.done $0x0  }
0x136: {  	[sflag:s23] =	ssyncadd.s32 $0xFFFFF060  }
0x137: {  	_ =	swait.ge [sflag:s23], $0xFA0  }
0x138: {  	[sflag:s23] =	ssyncset.done $0x0  }
0x139: {  	s1 =	simm.s32 $0x18920;
	[sflag:s23] =	ssyncadd.s32 $0xFFFFF060  }
0x13a: {  	v5 =	vld [tilespmem:s1+$0xFFFFFFE0]  }
0x13b: {  	v8 =	vld [tilespmem:s1+$0x10]  }
0x13c: {  	v7 =	vld [tilespmem:s1+$0x0];
	_ =	sdelay $0x3  }
0x13d: {  	v6 =	vadd.f32 $-8.000000110e-01, v5  }
0x13e: {  	v13 =	vadd.f32 $-8.000000110e-01, v8;
	v14 =	vadd.f32 $-8.000000110e-01, v7  }
0x13f: {  	v9 =	vld [tilespmem:s1+$0xFFFFFFF0];
	v10 =	vmul.f32 $2.015748020e+00, v5;
	v5 =	vsub.f32 v5, v1;
	v16 =	vsub.f32 v7, v1  }
0x140: {  	v17 =	vsub.f32 v8, v1;
	v8 =	vmul.f32 $2.015748020e+00, v8;
	v6 =	vmul.f32 $5.000000000e+00, v6  }
0x141: {  	v10 =	vmul.f32 $1.442695020e+00, v10;
	v14 =	vmul.f32 $5.000000000e+00, v14  }
0x142: {  	v5 =	vmul.f32 v5, v5;
	v16 =	vmul.f32 v16, v16;
	v6 =	vmax.f32 v6, $0.0e+00  }
0x143: {  	v8 =	vmul.f32 $1.442695020e+00, v8;
	v14 =	vmax.f32 v14, $0.0e+00;
	v11 =	vmin.f32 v6, $1.000000000e+00  }
0x144: {  	v5 =	vmul.f32 $-1.280000000e+02, v5;
	v6 =	vsub.f32 v9, v1;
	v12 =	vmul.f32 $1.158923270e+00, v11  }
0x145: {  	(erf) = vpow2.f32 v10;
	v10 =	vmul.f32 $-1.280000000e+02, v16;
	v18 =	vmin.f32 v14, $1.000000000e+00  }
0x146: {  	v14 =	vmul.f32 $1.158923270e+00, v18;
	v15 =	vmul.f32 v6, v6;
	v6 =	vsub.f32 $2.897308110e+00, v12  }
0x147: {  	v5 =	vmul.f32 $1.442695020e+00, v5;
	v12 =	vmul.f32 $5.000000000e+00, v13;
	v13 =	vadd.f32 $-8.000000110e-01, v9  }
0x148: {  	v10 =	vmul.f32 $1.442695020e+00, v10;
	v6 =	vmul.f32 v6, v11  }
0x149: {  	v19 =	vsub.f32 $2.897308110e+00, v14;
	(erf) = vpow2.f32 v5;
	v13 =	vmul.f32 $5.000000000e+00, v13  }
0x14a: {  	v9 =	vmul.f32 $2.015748020e+00, v9;
	(erf) = vpow2.f32 v10;
	v6 =	vadd.f32 $-3.264710610e-01, v6  }
0x14b: {  	v16 =	vmul.f32 v19, v18;
	v5 =	vmax.f32 v13, $0.0e+00;
	v13 =	vmul.f32 v17, v17  }
0x14c: {  	s1 =	simm.s32 $0x14920;
	v12 =	vmax.f32 v12, $0.0e+00;
	v17 =	vmul.f32 $2.015748020e+00, v7;
	v6 =	vmul.f32 v6, v11  }
0x14d: {  	v14 =	vld [tilespmem:s1+$0xFFFFFFE0];
	v9 =	vmul.f32 $1.442695020e+00, v9;
	v19 =	vmin.f32 v12, $1.000000000e+00;
	v25 =	vmin.f32 v5, $1.000000000e+00  }
0x14e: {  	v5 =	vmul.f32 $1.158923270e+00, v19;
	v17 =	vmul.f32 $1.442695020e+00, v17;
	v6 =	vadd.f32 $-2.407601590e+00, v6  }
0x14f: {  	v20 =	vmul.f32 $-1.280000000e+02, v13;
	v13 =	vmul.f32 $1.158923270e+00, v25  }
0x150: {  	v21 =	vpop (erf);
	v5 =	vsub.f32 $2.897308110e+00, v5;
	(erf) = vpow2.f32 v17;
	v12 =	vmul.f32 v6, v11  }
0x151: {  	s0 =	simm.s32 $0x16920;
	v7 =	vld [tilespmem:s1+$0x10];
	v27 =	vmul.f32 v21, v2;
	v28 =	vmul.f32 v21, v3  }
0x152: {  	v17 =	vld [tilespmem:s0+$0x0];
	v5 =	vmul.f32 v5, v19;
	v10 =	vadd.f32 $-4.472879690e-03, v12;
	v12 =	vadd.f32 $-3.264710610e-01, v16  }
0x153: {  	v22 =	vpop (erf);
	(erf) = vpow2.f32 v8;
	v8 =	vmul.f32 $1.442695020e+00, v20;
	v6 =	vld [tilespmem:s1+$0xFFFFFFF0]  }
0x154: {  	s28 =	simm.s32 $0x0;
	v53 =	vadd.s32 $0x4E20, v14;
	v16 =	vld [tilespmem:s1+$0x0];
	v10 =	vmul.f32 v10, v11;
	v11 =	vmul.f32 v12, v18  }
0x155: {  	v21 =	vmul.f32 v21, v4;
	v5 =	vadd.f32 $-3.264710610e-01, v5;
	s1 =	simm.s32 $0x18960;
	v12 =	vsub.f32 $2.897308110e+00, v13;
	v13 =	vld.idx.msk [tilespmem:v14+s28+$0x0], $0xffff  }
0x156: {  	v30 =	vpop (erf);
	(erf) = vpow2.f32 v9;
	v32 =	vld [tilespmem:s1+$0xFFFFFFF0];
	v10 =	vadd.f32 $1.000080350e+00, v10;
	v11 =	vadd.f32 $-2.407601590e+00, v11  }
0x157: {  	v26 =	vadd.s32 $0x2710, v7;
	v5 =	vmul.f32 v5, v19;
	v12 =	vmul.f32 v12, v25  }
0x158: {  	v33 =	vadd.s32 $0x2710, v17;
	v10 =	vmul.f32 v10, v22;
	v11 =	vmul.f32 v11, v18  }
0x159: {  	v24 =	vadd.s32 $0x2710, v6;
	v35 =	vpop (erf);
	(erf) = vpow2.f32 v8;
	v12 =	vadd.f32 $-3.264710610e-01, v12  }
0x15a: {  	v34 =	vld [tilespmem:s0+$0xFFFFFFE0];
	v41 =	vmul.f32 v35, v4;
	v23 =	vmul.f32 v10, v13;
	v11 =	vadd.f32 $-4.472879690e-03, v11  }
0x15b: {  	v38 =	vld [tilespmem:s1+$0x10];
	v59 =	vadd.f32 $-8.000000110e-01, v32;
	v12 =	vmul.f32 v12, v25;
	v13 =	vmul.f32 $-1.280000000e+02, v15  }
0x15c: {  	v40 =	vld [tilespmem:s1+$0x0];
	v37 =	vadd.s32 $0x4E20, v16;
	v29 =	vmul.f32 v10, v27;
	v11 =	vmul.f32 v11, v18  }
0x15d: {  	v15 =	vadd.f32 $-2.407601590e+00, v5;
	v46 =	vmul.f32 $5.000000000e+00, v59;
	v18 =	vld.idx.msk [tilespmem:v16+s28+$0x0], $0xffff;
	v12 =	vadd.f32 $-2.407601590e+00, v12  }
0x15e: {  	v31 =	vmul.f32 $1.442695020e+00, v13;
	v28 =	vmul.f32 v29, v28;
	v10 =	vadd.f32 $1.000080350e+00, v11  }
0x15f: {  	v22 =	vadd.s32 $0x2710, v16;
	v13 =	vmul.f32 v35, v2;
	v11 =	vmul.f32 v15, v19  }
0x160: {  	v15 =	vadd.s32 $0x2710, v14;
	v27 =	vmul.f32 v12, v25;
	v10 =	vmul.f32 v10, v30  }
0x161: {  	v36 =	vld [tilespmem:s1+$0xFFFFFFE0];
	(erf) = vpow2.f32 v31;
	v31 =	vsub.f32 v38, v1;
	v11 =	vadd.f32 $-4.472879690e-03, v11  }
0x162: {  	v30 =	vmul.f32 v28, v21;
	v21 =	vadd.f32 $-8.000000110e-01, v40;
	v18 =	vmul.f32 v10, v18  }
0x163: {  	v42 =	vadd.s32 $0x7530, v16;
	v39 =	vmul.f32 v10, v13;
	v10 =	vmul.f32 v11, v19  }
0x164: {  	v8 =	vadd.f32 $-8.000000110e-01, v38;
	[tilespmem:v34+s22+$0x0] =	vst.idx.add.f32.msk $0xffff, v23;
	v31 =	vmul.f32 v31, v31;
	v21 =	vmul.f32 $5.000000000e+00, v21  }
0x165: {  	v27 =	vadd.f32 $-4.472879690e-03, v27;
	v11 =	vmul.f32 v35, v3;
	v15 =	vld.idx.msk [tilespmem:v15+s28+$0x0], $0xffff;
	v16 =	vadd.f32 $1.000080350e+00, v10  }
0x166: {  	[tilespmem:v17+s22+$0x0] =	vst.idx.add.f32.msk $0xffff, v18;
	v10 =	vadd.f32 $-8.000000110e-01, v36;
	v18 =	vmul.f32 $2.015748020e+00, v36;
	v21 =	vmax.f32 v21, $0.0e+00  }
0x167: {  	v25 =	vmul.f32 v27, v25;
	v20 =	vld.idx.msk [tilespmem:v22+s28+$0x0], $0xffff;
	v22 =	vsub.f32 v32, v1;
	v51 =	vmin.f32 v21, $1.000000000e+00  }
0x168: {  	v43 =	vmul.f32 $1.442695020e+00, v18;
	v10 =	vmul.f32 $5.000000000e+00, v10;
	v18 =	vsub.f32 v36, v1  }
0x169: {  	v59 =	vadd.s32 $0x4E20, v17;
	v21 =	vmul.f32 $1.158923270e+00, v51;
	v45 =	vmul.f32 v22, v22  }
0x16a: {  	v19 =	vadd.s32 $0x2710, v34;
	v22 =	vmul.f32 $5.000000000e+00, v8;
	v8 =	vpop (erf);
	v36 =	vmul.f32 v18, v18  }
0x16b: {  	v18 =	vsub.f32 v40, v1;
	v63 =	vmul.f32 v8, v2;
	v54 =	vmul.f32 v29, v15  }
0x16c: {  	v5 =	vld [tilespmem:s0+$0xFFFFFFF0];
	v44 =	vmax.f32 v10, $0.0e+00;
	v29 =	vmul.f32 $-1.280000000e+02, v31;
	v57 =	vmul.f32 v8, v3  }
0x16d: {  	v52 =	vsub.f32 $2.897308110e+00, v21;
	v40 =	vmul.f32 $2.015748020e+00, v40;
	v20 =	vmul.f32 v39, v20  }
0x16e: {  	v44 =	vmin.f32 v44, $1.000000000e+00;
	v39 =	vmul.f32 v39, v11;
	v47 =	vmul.f32 v18, v18  }
0x16f: {  	v49 =	vld.idx.msk [tilespmem:v7+s28+$0x0], $0xffff;
	s1 =	simm.s32 $0x14960;
	v50 =	vmax.f32 v22, $0.0e+00;
	v48 =	vmul.f32 $1.158923270e+00, v44;
	v22 =	vmul.f32 $-1.280000000e+02, v36  }
0x170: {  	v9 =	vld [tilespmem:s1+$0xFFFFFFF0];
	v23 =	vmax.f32 v46, $0.0e+00;
	v10 =	vpop (erf);
	(erf) = vpow2.f32 v43;
	v58 =	vmul.f32 v52, v51  }
0x171: {  	v12 =	vadd.s32 $0x2710, v5;
	v15 =	vld [tilespmem:s1+$0xFFFFFFE0];
	v40 =	vmul.f32 $1.442695020e+00, v40;
	v35 =	vmul.f32 v10, v2  }
0x172: {  	[tilespmem:v19+s22+$0x0] =	vst.idx.add.f32.msk $0xffff, v54;
	v18 =	vmul.f32 v10, v3;
	v60 =	vpop (erf);
	v48 =	vsub.f32 $2.897308110e+00, v48;
	v61 =	vmul.f32 $1.442695020e+00, v22  }
0x173: {  	v36 =	vmul.f32 v16, v60;
	v16 =	vmin.f32 v23, $1.000000000e+00;
	v23 =	vmin.f32 v50, $1.000000000e+00;
	v60 =	vld.idx.msk [tilespmem:v53+s28+$0x0], $0xffff  }
0x174: {  	v22 =	vld [tilespmem:s0+$0x10];
	v50 =	vadd.s32 $0x7530, v34;
	v47 =	vmul.f32 $-1.280000000e+02, v47;
	v21 =	vmul.f32 $1.158923270e+00, v23  }
0x175: {  	[tilespmem:v33+s22+$0x0] =	vst.idx.add.f32.msk $0xffff, v20;
	v34 =	vadd.s32 $0x4E20, v34;
	v48 =	vmul.f32 v48, v44;
	v62 =	vmul.f32 v36, v49  }
0x176: {  	v46 =	vadd.f32 $-3.264710610e-01, v58;
	v37 =	vld.idx.msk [tilespmem:v37+s28+$0x0], $0xffff;
	v36 =	vmul.f32 v36, v63;
	(erf) = vpow2.f32 v61  }
0x177: {  	v47 =	vmul.f32 $1.442695020e+00, v47;
	v49 =	vsub.f32 $2.897308110e+00, v21;
	v21 =	vld [tilespmem:s1+$0x0];
	v20 =	vadd.f32 $-3.264710610e-01, v48  }
0x178: {  	v13 =	vadd.s32 $0x4E20, v6;
	v58 =	vmul.f32 v28, v60;
	v28 =	vmul.f32 v46, v51;
	v60 =	vld.idx.msk [tilespmem:v6+s28+$0x0], $0xffff  }
0x179: {  	s29 =	simm.s32 $0x16960;
	v43 =	vadd.s32 $0x7530, v14;
	v19 =	vmul.f32 v36, v57;
	v55 =	vmul.f32 v20, v44;
	v20 =	vld [tilespmem:s1+$0x10]  }
0x17a: {  	(erf) = vpow2.f32 v47;
	v57 =	vmul.f32 $2.015748020e+00, v38;
	v27 =	vadd.f32 $-2.407601590e+00, v28;
	v28 =	vld [tilespmem:s29+$0xFFFFFFF0]  }
0x17b: {  	v37 =	vmul.f32 v39, v37;
	v39 =	vmul.f32 v39, v41;
	[tilespmem:v34+s22+$0x0] =	vst.idx.add.f32.msk $0xffff, v58;
	v31 =	vadd.f32 $-2.407601590e+00, v55  }
0x17c: {  	v11 =	vadd.s32 $0x2710, v9;
	v58 =	vmul.f32 $-1.280000000e+02, v45;
	[tilespmem:v22+s22+$0x0] =	vst.idx.add.f32.msk $0xffff, v62;
	v62 =	vmul.f32 $1.158923270e+00, v16  }
0x17d: {  	v53 =	vadd.s32 $0x7530, v17;
	v55 =	vmul.f32 v49, v23;
	[tilespmem:v59+s22+$0x0] =	vst.idx.add.f32.msk $0xffff, v37;
	v31 =	vmul.f32 v31, v44  }
0x17e: {  	v56 =	vadd.s32 $0x2710, v22;
	v49 =	vpop (erf);
	(erf) = vpow2.f32 v40;
	v34 =	vld.idx.msk [tilespmem:v43+s28+$0x0], $0xffff;
	v40 =	vmul.f32 $2.015748020e+00, v32  }
0x17f: {  	v48 =	vld.idx.msk [tilespmem:v42+s28+$0x0], $0xffff;
	v42 =	vmul.f32 $1.442695020e+00, v57;
	v63 =	vsub.f32 $2.897308110e+00, v62;
	v61 =	vadd.f32 $-4.472879690e-03, v31  }
0x180: {  	v14 =	vld [tilespmem:s29+$0x0];
	v33 =	vpop (erf);
	v45 =	vmul.f32 $1.442695020e+00, v58;
	v47 =	vadd.f32 $-3.264710610e-01, v55;
	v62 =	vadd.f32 $1.000080350e+00, v25  }
0x181: {  	v41 =	vld.idx.msk [tilespmem:v26+s28+$0x0], $0xffff;
	v25 =	vadd.s32 $0x4E20, v21;
	v38 =	vmul.f32 v33, v3;
	v26 =	vmul.f32 v61, v44  }
0x182: {  	v17 =	vadd.s32 $0x2710, v20;
	v31 =	vadd.s32 $0x2710, v21;
	v57 =	vmul.f32 v62, v49  }
0x183: {  	v30 =	vmul.f32 v30, v34;
	v61 =	vmul.f32 v63, v16;
	v26 =	vadd.f32 $1.000080350e+00, v26  }
0x184: {  	v46 =	vld.idx.msk [tilespmem:v15+s28+$0x0], $0xffff;
	v59 =	vpop (erf);
	v43 =	vadd.s32 $0x2710, v28;
	v63 =	vmul.f32 v27, v51;
	v60 =	vmul.f32 v57, v60  }
0x185: {  	v44 =	vld.idx.msk [tilespmem:v21+s28+$0x0], $0xffff;
	v37 =	vadd.f32 $-3.264710610e-01, v61;
	v54 =	vmul.f32 v26, v59;
	v59 =	vmul.f32 v47, v23  }
0x186: {  	v27 =	vadd.s32 $0x2710, v14;
	v41 =	vmul.f32 v36, v41;
	[tilespmem:v50+s22+$0x0] =	vst.idx.add.f32.msk $0xffff, v30;
	v62 =	vadd.f32 $-4.472879690e-03, v63  }
0x187: {  	[tilespmem:v5+s22+$0x0] =	vst.idx.add.f32.msk $0xffff, v60;
	v47 =	vadd.s32 $0x4E20, v7;
	v61 =	vmul.f32 v37, v16;
	v63 =	vadd.f32 $-2.407601590e+00, v59  }
0x188: {  	v39 =	vmul.f32 v39, v48;
	v30 =	vadd.s32 $0x7530, v22;
	[tilespmem:v56+s22+$0x0] =	vst.idx.add.f32.msk $0xffff, v41;
	v60 =	vmul.f32 v62, v51  }
0x189: {  	v41 =	vmul.f32 v57, v35;
	v48 =	vld.idx.msk [tilespmem:v24+s28+$0x0], $0xffff;
	v59 =	vmul.f32 v33, v2;
	v24 =	vadd.f32 $-2.407601590e+00, v61  }
0x18a: {  	[tilespmem:v53+s22+$0x0] =	vst.idx.add.f32.msk $0xffff, v39;
	v26 =	vadd.s32 $0x2710, v15;
	v61 =	vadd.f32 $1.000080350e+00, v60;
	v62 =	vmul.f32 v63, v23  }
0x18b: {  	s31 =	simm.s32 $0x4;
	v37 =	vadd.s32 $0x4E20, v9;
	v32 =	vmul.f32 v54, v59;
	v34 =	vmul.f32 v24, v16;
	v24 =	vld [tilespmem:s29+$0xFFFFFFE0];
	v63 =	vpop (erf)  }
0x18c: {  	s30 =	simm.s32 $0x0;
	s0 =	simm.s32 $0x189A0;
	s1 =	simm.s32 $0x149A0;
	v36 =	vmul.f32 v54, v46;
	v47 =	vld.idx.msk [tilespmem:v47+s28+$0x0], $0xffff;
	v49 =	vadd.f32 $-4.472879690e-03, v62;
	v46 =	vmul.f32 v61, v63;
	v39 =	vpop (erf)  }
.LBB2_11:
0x18d: {  	s31 =	sadd.s32 $0x4, s31;
	v38 =	vmul.f32 v32, v38;
	v50 =	vmul.f32 $1.442695020e+00, v40;
	v22 =	vadd.s32 $0x4E20, v22  }
0x18e: {  	v35 =	vmul.f32 v39, v2;
	v52 =	vadd.s32 $0x7530, v6;
	v6 =	vmovc v9;
	v51 =	vld [tilespmem:s0+$0xFFFFFFE0];
	p1 =	slt.u32 s31, $0xF4;
	v48 =	vmul.f32 v41, v48  }
0x18f: {  	v9 =	vmul.f32 v33, v4;
	v54 =	vadd.s32 $0x7530, v5;
	v53 =	vmul.f32 v46, v44;
	v40 =	vld [tilespmem:s0+$0x10]  }
0x190: {  	v23 =	vmul.f32 v49, v23;
	v55 =	vmul.f32 v46, v35;
	[tilespmem:v12+s22+$0x0] =	vst.idx.add.f32.msk $0xffff, v48;
	v48 =	vadd.s32 $0x4E20, v5  }
0x191: {  	v29 =	vmul.f32 $1.442695020e+00, v29;
	v44 =	vmul.f32 v39, v4;
	v5 =	vmovc v28;
	v12 =	vmovc v43;
	v46 =	vadd.s32 $0x2710, v24;
	v49 =	vld.idx.msk [tilespmem:v13+s30+$0x0], $0xffff  }
0x192: {  	v33 =	vadd.s32 $0x7530, v21;
	v35 =	vmul.f32 v38, v9;
	v13 =	vmovc v37;
	v28 =	vld [tilespmem:s0+$0x0];
	(erf) = vpow2.f32 v42  }
0x193: {  	v21 =	vmul.f32 v19, v47;
	v42 =	vadd.s32 $0x7530, v7;
	v7 =	vmovc v20;
	v37 =	vld [tilespmem:s0+$0xFFFFFFF0];
	(erf) = vpow2.f32 v50  }
0x194: {  	v10 =	vmul.f32 v10, v4;
	v20 =	vadd.f32 $1.000080350e+00, v23;
	v9 =	vld [tilespmem:s1+$0xFFFFFFF0];
	(erf) = vpow2.f32 v29  }
0x195: {  	v18 =	vmul.f32 v41, v18;
	v23 =	vadd.f32 $-8.000000110e-01, v40;
	v29 =	vmul.f32 v39, v3;
	[tilespmem:v14+s22+$0x0] =	vst.idx.add.f32.msk $0xffff, v53  }
0x196: {  	v41 =	vmul.f32 $2.015748020e+00, v51;
	v39 =	vadd.f32 $-8.000000110e-01, v51;
	v31 =	vld.idx.msk [tilespmem:v31+s28+$0x0], $0xffff;
	(erf) = vpow2.f32 v45  }
0x197: {  	v50 =	vmul.f32 v18, v10;
	v47 =	vsub.f32 v40, v1;
	v45 =	vadd.f32 $-8.000000110e-01, v28;
	[tilespmem:v22+s22+$0x0] =	vst.idx.add.f32.msk $0xffff, v21  }
0x198: {  	v53 =	vmul.f32 $1.442695020e+00, v41;
	v18 =	vmul.f32 v18, v49;
	v10 =	vsub.f32 v37, v1;
	v21 =	vld.idx.msk [tilespmem:v42+s30+$0x0], $0xffff  }
0x199: {  	v41 =	vmul.f32 $5.000000000e+00, v39;
	v22 =	vsub.f32 v51, v1;
	v42 =	vmul.f32 v8, v4  }
0x19a: {  	v23 =	vmul.f32 $5.000000000e+00, v23;
	v39 =	vadd.s32 $0x2710, v9;
	v43 =	vmul.f32 v10, v10;
	[tilespmem:v48+s22+$0x0] =	vst.idx.add.f32.msk $0xffff, v18  }
0x19b: {  	v48 =	vmul.f32 v22, v22;
	v18 =	vadd.f32 $-8.000000110e-01, v37;
	v19 =	vmul.f32 v19, v42;
	v8 =	vpop (erf);
	v49 =	vld.idx.msk [tilespmem:v52+s30+$0x0], $0xffff;
	s30 =	smov.u32 s28  }
0x19c: {  	v42 =	vmul.f32 $5.000000000e+00, v45;
	v45 =	vsub.f32 v28, v1;
	v31 =	vmul.f32 v55, v31;
	v22 =	vld [tilespmem:s29+$0x10];
	v10 =	vpop (erf)  }
0x19d: {  	v41 =	vmax.f32 v41, $0.0e+00;
	v52 =	vmul.f32 v55, v29;
	v51 =	vmul.f32 $5.000000000e+00, v18;
	v29 =	vld.idx.msk [tilespmem:v7+s30+$0x0], $0xffff;
	v55 =	vpop (erf)  }
0x19e: {  	v56 =	vmin.f32 v41, $1.000000000e+00;
	v57 =	vmul.f32 v45, v45;
	v41 =	vmul.f32 v10, v2;
	[tilespmem:v24+s22+$0x0] =	vst.idx.add.f32.msk $0xffff, v36  }
0x19f: {  	v23 =	vmax.f32 v23, $0.0e+00;
	v18 =	vmul.f32 v10, v3;
	v36 =	vmul.f32 $1.158923270e+00, v56;
	[tilespmem:v27+s22+$0x0] =	vst.idx.add.f32.msk $0xffff, v31;
	v58 =	vpop (erf)  }
0x1a0: {  	v19 =	vmul.f32 v19, v21;
	v27 =	vmul.f32 $-1.280000000e+02, v48;
	v31 =	vmax.f32 v42, $0.0e+00;
	v26 =	vld.idx.msk [tilespmem:v26+s30+$0x0], $0xffff  }
0x1a1: {  	v21 =	vsub.f32 $2.897308110e+00, v36;
	v36 =	vmax.f32 v51, $0.0e+00;
	v42 =	vmul.f32 v50, v49;
	v25 =	vld.idx.msk [tilespmem:v25+s30+$0x0], $0xffff  }
0x1a2: {  	v45 =	vmin.f32 v31, $1.000000000e+00;
	v31 =	vmul.f32 v20, v55;
	v27 =	vmul.f32 $1.442695020e+00, v27;
	[tilespmem:v30+s22+$0x0] =	vst.idx.add.f32.msk $0xffff, v19  }
0x1a3: {  	v23 =	vmin.f32 v23, $1.000000000e+00;
	v36 =	vmin.f32 v36, $1.000000000e+00;
	v19 =	vmul.f32 $1.158923270e+00, v45;
	[tilespmem:v54+s22+$0x0] =	vst.idx.add.f32.msk $0xffff, v42  }
0x1a4: {  	v20 =	vmul.f32 v21, v56;
	v30 =	vadd.s32 $0x7530, v24;
	v42 =	vmul.f32 v47, v47  }
0x1a5: {  	v48 =	vadd.s32 $0x4E20, v15;
	v47 =	vmul.f32 $1.158923270e+00, v23;
	v19 =	vsub.f32 $2.897308110e+00, v19  }
0x1a6: {  	v50 =	vmul.f32 v31, v29;
	v29 =	vmul.f32 v8, v2;
	v49 =	vadd.f32 $-3.264710610e-01, v20;
	v21 =	vld [tilespmem:s1+$0x0]  }
0x1a7: {  	v51 =	vmul.f32 $-1.280000000e+02, v57;
	v47 =	vsub.f32 $2.897308110e+00, v47;
	v26 =	vmul.f32 v32, v26;
	v20 =	vld [tilespmem:s1+$0x10]  }
0x1a8: {  	s29 =	sadd.s32 $0x40, s29;
	v55 =	vadd.s32 $0x2710, v22;
	v54 =	vmul.f32 v31, v29;
	v49 =	vmul.f32 v49, v56;
	v32 =	vld [tilespmem:s1+$0xFFFFFFE0]  }
0x1a9: {  	v24 =	vadd.s32 $0x4E20, v24;
	v29 =	vmul.f32 $-1.280000000e+02, v42;
	(erf) = vpow2.f32 v53;
	[tilespmem:v46+s22+$0x0] =	vst.idx.add.f32.msk $0xffff, v26  }
0x1aa: {  	v31 =	vmul.f32 v8, v3;
	v26 =	vadd.f32 $-2.407601590e+00, v49;
	(erf) = vpow2.f32 v27;
	v27 =	vld.idx.msk [tilespmem:v48+s30+$0x0], $0xffff  }
0x1ab: {  	v42 =	vmul.f32 v19, v45;
	v46 =	vmul.f32 $1.442695020e+00, v51;
	v48 =	vadd.s32 $0x4E20, v14  }
0x1ac: {  	v19 =	vmul.f32 v54, v31;
	v49 =	vadd.s32 $0x7530, v14;
	v26 =	vmul.f32 v26, v56  }
0x1ad: {  	v25 =	vmul.f32 v52, v25;
	(erf) = vpow2.f32 v46;
	v46 =	vadd.s32 $0x7530, v15;
	[tilespmem:v22+s22+$0x0] =	vst.idx.add.f32.msk $0xffff, v50;
	v15 =	vmovc v32  }
0x1ae: {  	v31 =	vadd.s32 $0x2710, v21;
	v26 =	vadd.f32 $-4.472879690e-03, v26;
	v32 =	vmul.f32 $1.158923270e+00, v36;
	v14 =	vld [tilespmem:s29+$0x0]  }
0x1af: {  	v44 =	vmul.f32 v52, v44;
	v42 =	vadd.f32 $-3.264710610e-01, v42;
	v50 =	vld.idx.msk [tilespmem:v17+s30+$0x0], $0xffff;
	v17 =	vadd.s32 $0x2710, v20  }
0x1b0: {  	v47 =	vmul.f32 v47, v23;
	v26 =	vmul.f32 v26, v56;
	v32 =	vsub.f32 $2.897308110e+00, v32;
	[tilespmem:v48+s22+$0x0] =	vst.idx.add.f32.msk $0xffff, v25  }
0x1b1: {  	v34 =	vadd.f32 $-4.472879690e-03, v34;
	v52 =	vmul.f32 $2.015748020e+00, v40;
	v27 =	vmul.f32 v38, v27;
	v38 =	vld.idx.msk [tilespmem:v33+s30+$0x0], $0xffff  }
0x1b2: {  	v51 =	vmul.f32 $2.015748020e+00, v28;
	v48 =	vmul.f32 v42, v45;
	v26 =	vadd.f32 $1.000080350e+00, v26;
	v40 =	vld.idx.msk [tilespmem:v15+s28+$0x0], $0xffff;
	v33 =	vpop (erf)  }
0x1b3: {  	v34 =	vmul.f32 v34, v16;
	v47 =	vadd.f32 $-3.264710610e-01, v47;
	v42 =	vmul.f32 $1.442695020e+00, v52;
	v25 =	vpop (erf);
	v52 =	vld.idx.msk [tilespmem:v6+s30+$0x0], $0xffff  }
0x1b4: {  	v16 =	vmovc v36;
	v32 =	vmul.f32 v32, v36;
	v53 =	vmul.f32 v26, v25;
	v28 =	vld [tilespmem:s29+$0xFFFFFFF0];
	v25 =	vadd.f32 $-2.407601590e+00, v48  }
0x1b5: {  	v36 =	vmul.f32 $1.442695020e+00, v51;
	v26 =	vadd.s32 $0x2710, v15;
	[tilespmem:v24+s22+$0x0] =	vst.idx.add.f32.msk $0xffff, v27;
	v24 =	vadd.f32 $1.000080350e+00, v34  }
0x1b6: {  	v50 =	vmul.f32 v54, v50;
	v27 =	vadd.s32 $0x2710, v14;
	v34 =	vmul.f32 v25, v45;
	v51 =	vpop (erf);
	v46 =	vld.idx.msk [tilespmem:v46+s30+$0x0], $0xffff  }
0x1b7: {  	v25 =	vadd.s32 $0x4E20, v21;
	(erf) = vpow2.f32 v36;
	v54 =	vmul.f32 v24, v58  }
0x1b8: {  	v38 =	vmul.f32 v44, v38;
	v24 =	vadd.f32 $-3.264710610e-01, v32;
	v32 =	vmul.f32 v47, v23  }
0x1b9: {  	v36 =	vmul.f32 v53, v40;
	v44 =	vld.idx.msk [tilespmem:v21+s28+$0x0], $0xffff;
	v47 =	vmul.f32 v54, v52;
	v52 =	vadd.s32 $0x4E20, v7  }
0x1ba: {  	v34 =	vadd.f32 $-4.472879690e-03, v34;
	v24 =	vmul.f32 v24, v16;
	v56 =	vadd.f32 $-2.407601590e+00, v32;
	[tilespmem:v49+s22+$0x0] =	vst.idx.add.f32.msk $0xffff, v38  }
0x1bb: {  	v40 =	vmul.f32 $2.015748020e+00, v37;
	v49 =	vmul.f32 $-1.280000000e+02, v43;
	v43 =	vadd.s32 $0x2710, v28;
	[tilespmem:v5+s22+$0x0] =	vst.idx.add.f32.msk $0xffff, v47  }
.Ltmp6:
0x1bc: {  	v37 =	vadd.s32 $0x4E20, v9;
	v32 =	vmul.f32 v33, v2;
	v34 =	vmul.f32 v34, v45;
	v48 =	vld.idx.msk [tilespmem:v11+s30+$0x0], $0xffff;
	v11 =	vmovc v39;
	(pc) =	sbr.rel @p1 .LBB2_11-.Ltmp6, $4  }
0x1bd: {  	v38 =	vmul.f32 v33, v3;
	v24 =	vadd.f32 $-2.407601590e+00, v24;
	v35 =	vmul.f32 v35, v46;
	[tilespmem:v55+s22+$0x0] =	vst.idx.add.f32.msk $0xffff, v50  }
0x1be: {  	v32 =	vmul.f32 v53, v32;
	v53 =	vadd.f32 $1.000080350e+00, v34;
	v50 =	vmul.f32 v56, v23;
	v47 =	vld.idx.msk [tilespmem:v52+s30+$0x0], $0xffff  }
0x1bf: {  	v45 =	vmul.f32 $1.442695020e+00, v49;
	v34 =	vmul.f32 v24, v16;
	[tilespmem:v30+s22+$0x0] =	vst.idx.add.f32.msk $0xffff, v35;
	v30 =	vadd.s32 $0x7530, v22  }
0x1c0: {  	s0 =	sadd.s32 $0x40, s0;
	s1 =	sadd.s32 $0x40, s1;
	v41 =	vmul.f32 v54, v41;
	v46 =	vmul.f32 v53, v51;
	v49 =	vadd.f32 $-4.472879690e-03, v50;
	v24 =	vld [tilespmem:s29+$0xFFFFFFE0];
	v39 =	vpop (erf)  }
0x1c1: {  	v35 =	vmul.f32 $1.442695020e+00, v40  }
0x1c2: {  	v29 =	vmul.f32 $1.442695020e+00, v29;
	(erf) = vpow2.f32 v42  }
0x1c3: {  	v60 =	vmul.f32 v41, v48;
	(erf) = vpow2.f32 v35  }
0x1c4: {  	v22 =	vadd.s32 $0x4E20, v22;
	v61 =	vmul.f32 v46, v44;
	(erf) = vpow2.f32 v29  }
0x1c5: {  	[tilespmem:v12+s22+$0x0] =	vst.idx.add.f32.msk $0xffff, v60  }
0x1c6: {  	[tilespmem:v14+s22+$0x0] =	vst.idx.add.f32.msk $0xffff, v61;
	(erf) = vpow2.f32 v45  }
0x1c7: {  	v62 =	vmul.f32 v19, v47;
	v12 =	vld.idx.msk [tilespmem:v13+s30+$0x0], $0xffff  }
0x1c8: {  	v29 =	vld.idx.msk [tilespmem:v31+s28+$0x0], $0xffff  }
0x1c9: {  	v45 =	vadd.f32 $-4.472879690e-03, v34;
	[tilespmem:v22+s22+$0x0] =	vst.idx.add.f32.msk $0xffff, v62  }
0x1ca: {  	v7 =	vadd.s32 $0x7530, v7;
	v44 =	vmul.f32 v49, v23;
	v22 =	vld [tilespmem:s29+$0x10]  }
0x1cb: {  	v63 =	vadd.s32 $0x4E20, v5;
	v52 =	vmul.f32 v39, v2;
	v47 =	vld.idx.msk [tilespmem:v20+s28+$0x0], $0xffff;
	v16 =	vmul.f32 v45, v16;
	v34 =	vpop (erf)  }
0x1cc: {  	v18 =	vmul.f32 v41, v18;
	v49 =	vld.idx.msk [tilespmem:v9+s28+$0x0], $0xffff;
	v13 =	vadd.f32 $1.000080350e+00, v44;
	v40 =	vpop (erf)  }
0x1cd: {  	[tilespmem:v24+s22+$0x0] =	vst.idx.add.f32.msk $0xffff, v36;
	v51 =	vadd.f32 $1.000080350e+00, v16;
	v16 =	vmul.f32 v46, v52;
	v48 =	vpop (erf)  }
0x1ce: {  	v55 =	vld.idx.msk [tilespmem:v26+s28+$0x0], $0xffff;
	v12 =	vmul.f32 v18, v12;
	v50 =	vmul.f32 v13, v48  }
0x1cf: {  	v7 =	vld.idx.msk [tilespmem:v7+s30+$0x0], $0xffff;
	v29 =	vmul.f32 v16, v29;
	v53 =	vpop (erf)  }
0x1d0: {  	[tilespmem:v63+s22+$0x0] =	vst.idx.add.f32.msk $0xffff, v12;
	v13 =	vmul.f32 v51, v53;
	v54 =	vmul.f32 v50, v47  }
0x1d1: {  	v57 =	vadd.s32 $0x2710, v24;
	[tilespmem:v27+s22+$0x0] =	vst.idx.add.f32.msk $0xffff, v29  }
0x1d2: {  	v56 =	vmul.f32 v13, v49;
	[tilespmem:v22+s22+$0x0] =	vst.idx.add.f32.msk $0xffff, v54  }
0x1d3: {  	v58 =	vadd.s32 $0x4E20, v15;
	v17 =	vld.idx.msk [tilespmem:v17+s28+$0x0], $0xffff  }
0x1d4: {  	v6 =	vadd.s32 $0x7530, v6;
	v59 =	vmul.f32 v34, v2;
	v23 =	vmul.f32 v32, v55;
	[tilespmem:v28+s22+$0x0] =	vst.idx.add.f32.msk $0xffff, v56  }
0x1d5: {  	v61 =	vadd.s32 $0x2710, v22;
	v11 =	vld.idx.msk [tilespmem:v11+s28+$0x0], $0xffff  }
0x1d6: {  	v62 =	vadd.s32 $0x4E20, v20;
	v60 =	vmul.f32 v40, v2;
	[tilespmem:v57+s22+$0x0] =	vst.idx.add.f32.msk $0xffff, v23;
	v12 =	vmul.f32 v50, v59  }
0x1d7: {  	v63 =	vmul.f32 v39, v3;
	v25 =	vld.idx.msk [tilespmem:v25+s28+$0x0], $0xffff  }
0x1d8: {  	v23 =	vld.idx.msk [tilespmem:v58+s28+$0x0], $0xffff;
	v13 =	vmul.f32 v13, v60;
	v17 =	vmul.f32 v12, v17  }
0x1d9: {  	v36 =	vadd.s32 $0x4E20, v14;
	v6 =	vld.idx.msk [tilespmem:v6+s30+$0x0], $0xffff  }
0x1da: {  	v44 =	vadd.s32 $0x4E20, v24;
	v16 =	vmul.f32 v16, v63;
	v11 =	vmul.f32 v13, v11;
	[tilespmem:v61+s22+$0x0] =	vst.idx.add.f32.msk $0xffff, v17  }
0x1db: {  	v21 =	vadd.s32 $0x7530, v21;
	v42 =	vmul.f32 v32, v38;
	v27 =	vld.idx.msk [tilespmem:v62+s28+$0x0], $0xffff  }
0x1dc: {  	v46 =	vadd.s32 $0x7530, v15;
	v45 =	vmul.f32 v34, v3;
	v25 =	vmul.f32 v16, v25;
	[tilespmem:v43+s22+$0x0] =	vst.idx.add.f32.msk $0xffff, v11  }
0x1dd: {  	v48 =	vadd.s32 $0x4E20, v22;
	v23 =	vmul.f32 v42, v23;
	v49 =	vld.idx.msk [tilespmem:v37+s28+$0x0], $0xffff  }
0x1de: {  	v47 =	vmul.f32 v40, v3;
	v50 =	vadd.s32 $0x7530, v20;
	[tilespmem:v36+s22+$0x0] =	vst.idx.add.f32.msk $0xffff, v25;
	v12 =	vmul.f32 v12, v45  }
0x1df: {  	v8 =	vmul.f32 v8, v4;
	v10 =	vmul.f32 v10, v4;
	v51 =	vadd.s32 $0x4E20, v28;
	[tilespmem:v44+s22+$0x0] =	vst.idx.add.f32.msk $0xffff, v23  }
0x1e0: {  	v52 =	vadd.s32 $0x7530, v9;
	v21 =	vld.idx.msk [tilespmem:v21+s28+$0x0], $0xffff;
	v11 =	vmul.f32 v13, v47;
	v53 =	vmul.f32 v12, v27  }
0x1e1: {  	v8 =	vmul.f32 v19, v8;
	v15 =	vld.idx.msk [tilespmem:v46+s28+$0x0], $0xffff  }
0x1e2: {  	v10 =	vmul.f32 v18, v10;
	v55 =	vmul.f32 v11, v49;
	[tilespmem:v48+s22+$0x0] =	vst.idx.add.f32.msk $0xffff, v53  }
0x1e3: {  	v5 =	vadd.s32 $0x7530, v5;
	v7 =	vmul.f32 v8, v7;
	v56 =	vmul.f32 v39, v4;
	v57 =	vld.idx.msk [tilespmem:v50+s28+$0x0], $0xffff  }
0x1e4: {  	v58 =	vadd.s32 $0x7530, v14;
	v60 =	vmul.f32 v34, v4;
	v54 =	vmul.f32 v33, v4;
	[tilespmem:v51+s22+$0x0] =	vst.idx.add.f32.msk $0xffff, v55  }
0x1e5: {  	v59 =	vadd.s32 $0x7530, v24;
	v6 =	vmul.f32 v10, v6;
	v16 =	vmul.f32 v16, v56;
	v9 =	vld.idx.msk [tilespmem:v52+s28+$0x0], $0xffff  }
0x1e6: {  	v61 =	vadd.s32 $0x7530, v22;
	v13 =	vmul.f32 v42, v54;
	v62 =	vmul.f32 v40, v4  }
0x1e7: {  	[tilespmem:v30+s22+$0x0] =	vst.idx.add.f32.msk $0xffff, v7;
	v63 =	vadd.s32 $0x7530, v28;
	v7 =	vmul.f32 v16, v21;
	v12 =	vmul.f32 v12, v60  }
0x1e8: {  	[tilespmem:v5+s22+$0x0] =	vst.idx.add.f32.msk $0xffff, v6;
	v5 =	vmul.f32 v13, v15;
	v6 =	vmul.f32 v11, v62  }
0x1e9: {  	[tilespmem:v58+s22+$0x0] =	vst.idx.add.f32.msk $0xffff, v7;
	v7 =	vmul.f32 v12, v57  }
0x1ea: {  	[tilespmem:v59+s22+$0x0] =	vst.idx.add.f32.msk $0xffff, v5;
	v5 =	vmul.f32 v6, v9  }
0x1eb: {  	[tilespmem:v61+s22+$0x0] =	vst.idx.add.f32.msk $0xffff, v7  }
0x1ec: {  	[tilespmem:v63+s22+$0x0] =	vst.idx.add.f32.msk $0xffff, v5  }
.LBB2_13:
0x1ed: {  	s0 =	sshra.s32 s28, $0x2  }
0x1ee: {  	v5 =	vld [tilespmem:s0+$0x19880];
	_ =	sdelay $0x4  }
0x1ef: {  	v6 =	vadd.f32 $-8.000000110e-01, v5;
	_ =	sdelay $0x1  }
0x1f0: {  	v6 =	vmul.f32 $5.000000000e+00, v6;
	_ =	sdelay $0x1  }
0x1f1: {  	v6 =	vmax.f32 v6, $0.0e+00  }
0x1f2: {  	v6 =	vmin.f32 v6, $1.000000000e+00  }
0x1f3: {  	v7 =	vmul.f32 $-1.158923270e+00, v6;
	_ =	sdelay $0x1  }
0x1f4: {  	v8 =	vsub.f32 v5, v1;
	v7 =	vadd.f32 $2.897308110e+00, v7;
	_ =	sdelay $0x1  }
0x1f5: {  	v8 =	vmul.f32 v8, v8;
	v7 =	vmul.f32 v7, v6;
	_ =	sdelay $0x1  }
0x1f6: {  	v8 =	vmul.f32 $-1.280000000e+02, v8;
	v7 =	vadd.f32 $-3.264710610e-01, v7;
	_ =	sdelay $0x1  }
0x1f7: {  	v8 =	vmul.f32 $1.442695020e+00, v8;
	v7 =	vmul.f32 v7, v6  }
0x1f8: {  	v9 =	vld [tilespmem:s0+$0x15880]  }
0x1f9: {  	(erf) = vpow2.f32 v8;
	v7 =	vadd.f32 $-2.407601590e+00, v7;
	_ =	sdelay $0x1  }
0x1fa: {  	v7 =	vmul.f32 v7, v6  }
0x1fb: {  	v5 =	vmul.f32 $2.015748020e+00, v5  }
0x1fc: {  	v7 =	vadd.f32 $-4.472879690e-03, v7  }
0x1fd: {  	v5 =	vmul.f32 $1.442695020e+00, v5  }
0x1fe: {  	v60 =	vld [tilespmem:s0+$0x17880];
	v6 =	vmul.f32 v7, v6  }
0x1ff: {  	(erf) = vpow2.f32 v5;
	v5 =	vld.idx.msk [tilespmem:v9+s3+$0x0], $0xffff  }
0x200: {  	v6 =	vadd.f32 $1.000080350e+00, v6  }
0x201: {  	v7 =	vpop (erf)  }
0x202: {  	v6 =	vmul.f32 v6, v7  }
0x203: {  	v7 =	vadd.s32 $0x2710, v9  }
0x204: {  	v5 =	vmul.f32 v6, v5;
	_ =	sdelay $0x2  }
0x205: {  	[tilespmem:v60+s22+$0x0] =	vst.idx.add.f32.msk $0xffff, v5  }
0x206: {  	v7 =	vld.idx.msk [tilespmem:v7+s3+$0x0], $0xffff;
	v5 =	vpop (erf)  }
0x207: {  	v10 =	vmul.f32 v5, v2  }
0x208: {  	v11 =	vadd.s32 $0x2710, v60  }
0x209: {  	v61 =	vadd.s32 $0x4E20, v9;
	v6 =	vmul.f32 v6, v10;
	_ =	sdelay $0x1  }
0x20a: {  	v7 =	vmul.f32 v6, v7;
	_ =	sdelay $0x1  }
0x20b: {  	[tilespmem:v11+s22+$0x0] =	vst.idx.add.f32.msk $0xffff, v7  }
0x20c: {  	v7 =	vld.idx.msk [tilespmem:v61+s3+$0x0], $0xffff  }
0x20d: {  	v62 =	vmul.f32 v5, v3  }
0x20e: {  	v63 =	vadd.s32 $0x4E20, v60  }
0x20f: {  	v9 =	vadd.s32 $0x7530, v9;
	v6 =	vmul.f32 v6, v62;
	_ =	sdelay $0x1  }
0x210: {  	v7 =	vmul.f32 v6, v7;
	_ =	sdelay $0x1  }
0x211: {  	[tilespmem:v63+s22+$0x0] =	vst.idx.add.f32.msk $0xffff, v7  }
0x212: {  	v7 =	vld.idx.msk [tilespmem:v9+s3+$0x0], $0xffff  }
0x213: {  	v5 =	vmul.f32 v5, v4  }
0x214: {  	p1 =	sne.s32 s28, $0x40;
	v8 =	vadd.s32 $0x7530, v60  }
.Ltmp7:
0x215: {  	v5 =	vmul.f32 v6, v5;
	(pc) =	sbr.rel @p1 .LBB2_13-.Ltmp7, $3  }
0x216: {  	_ = 	snop  }
0x217: {  	v5 =	vmul.f32 v5, v7;
	_ =	sdelay $0x1  }
0x218: {  	s28 =	sadd.s32 $0x40, s28;
	[tilespmem:v8+s22+$0x0] =	vst.idx.add.f32.msk $0xffff, v5  }
.Ltmp8:
0x219: {  	(pc) =	sbr.rel @p0 .LBB2_16-.Ltmp8, $1  }
0x21a: {  	_ =	sdelay $0x3  }
0x21b: {  	s0 =	smul.u32 $0x1F40, s26;
	_ =	sdelay $0x1  }
0x21c: {  	s0 =	sshrl.u32 s0, $0x3  }
0x21d: {  	s0 =	sadd.s32 $0x5DC, s0  }
0x21e: {  	s1 =	sadd.s32 s4, s0  }
0x21f: {  	[tilespmem:s18], [sflag:$0x2] =	stream.linear.gather [hbm4b:s1+s3], $0xFA0, $0x38;
	[tilespmem:$0x19980] =	vst v63  }
.Ltmp9:
0x220: {  	_ = 	snop;
	(pc) =	sbr.rel .LBB2_6-.Ltmp9, $4  }
0x221: {  	s31 =	sadd.s32 s5, s0  }
0x222: {  	[tilespmem:s19], [sflag:$0x2] =	stream.linear.gather [hbm4b:s31+s3], $0xFA0, $0x38;
	[tilespmem:$0x19980] =	vst v63  }
0x223: {  	s26 =	sadd.s32 $0x1, s26;
	s0 =	sadd.s32 s2, s0  }
0x224: {  	[tilespmem:s20], [sflag:$0x2] =	stream.linear.gather [hbm4b:s0+s3], $0xFA0, $0x38;
	[tilespmem:$0x19980] =	vst v63  }
.LBB2_17:
0x225: {  	_ =	sfence.sel $0x180000  }
0x226: {  	[bflag:$0x0] =	sbarrier.arrive $0xFFFF  }
0x227: {  	_ =	strace $0x90000047  }
0x228: {  	s0 =	stileid.u32;
	[bflag:$0x2] =	sbarrier.arrive $0xFFFF  }
0x229: {  	p0 =	sne.s32 s0, $0x0;
	s0 =	rddreg [dreg:$0x3]  }
0x22a: {  	s0 =	sadd.s32 @!p0 $0x100000, s0  }
0x22b: {  	[sflag:s0] =	ssyncadd.tile.s32 @!p0 $0x1;
	_ =	shalt  }
.Lfunc_end2:
_tile_overlayer_lowered:
.L_overlay_start_2:
0x22c: {  	(tag) =	ssettag $0x2  }
0x22d: {  	s0 =	rddreg [dreg:$0x0];
	s2 =	stileid.u32  }
0x22e: {  	s1 =	rddreg [dreg:$0x1];
	p0 =	sne.s32 s2, $0x0  }
0x22f: {  	s3 =	rddreg [dreg:$0x2];
	[bflag:$0x3] =	sbarrier.arrive $0xFFFF;
	s2 =	simm.s32 @!p0 $0x1C03  }
0x230: {  	[timem:s3], [sflag:s2] =	dma.local @!p0 [hbm:s0], s1  }
0x231: {  	s0 =	simm.s32 @!p0 $0x3  }
0x232: {  	_ =	swait.ge @!p0 [sflag:s0], s1  }
0x233: {  	s1 =	ssub.s32 @!p0 $0x0, s1;
	[sflag:s0] =	ssyncset.done @!p0 $0x0  }
0x234: {  	[sflag:s0] =	ssyncadd.s32 @!p0 s1  }
0x235: {  	[bflag:$0x3] =	sbarrier.arrive $0xFFFF  }
0x236: {  	_ =	shalt  }

</sc_bundles>
